<compile_context>
chip_gen: v7x
topology: tpu7x:2x2x1
jax: 0.10.2.dev20260603
libtpu: 0.0.44.dev20260713+nightly
codegen_flags: <defaults>
</compile_context>

<pallas_src>
import jax
import jax.numpy as jnp
from jax import lax
from jax.experimental import pallas as pl
from jax.experimental.pallas import tpu as pltpu
from jax.experimental.pallas import tpu_sc as plsc

B = 32768
D = 2048
NC = 2
NS = 16
NW = NC * NS
BPW = B // NW
C = 24
NMAIN = 42
CT = BPW - NMAIN * C


def _emb_body(idx_hbm, table_hbm, out_hbm, idx_v, buf0, buf1,
              gsem0, gsem1, osem0, osem1):
    wid = lax.axis_index("c") * NS + lax.axis_index("s")
    base = wid * BPW
    pltpu.sync_copy(idx_hbm.at[pl.ds(base, BPW)], idx_v)

    bufs = (buf0, buf1)
    gsems = (gsem0, gsem1)
    osems = (osem0, osem1)

    def gather(off, n, b):
        return pltpu.make_async_copy(
            table_hbm.at[idx_v.at[pl.ds(off, n)]],
            bufs[b].at[pl.ds(0, n)], gsems[b])

    def store(off, n, b):
        return pltpu.make_async_copy(
            bufs[b].at[pl.ds(0, n)], out_hbm.at[pl.ds(base + off, n)],
            osems[b])

    gather(0, C, 0).start()
    gather(C, C, 1).start()

    def step(g, b, n_next):
        gather(g * C, C, b).wait()
        store(g * C, C, b).start()
        store(g * C, C, b).wait()
        if n_next:
            gather((g + 2) * C, n_next, b).start()

    def body(h, carry):
        step(2 * h, 0, C)
        step(2 * h + 1, 1, C)
        return carry

    lax.fori_loop(0, NMAIN // 2 - 1, body, 0)
    gather(40 * C, C, 0).wait()
    store(40 * C, C, 0).start()
    store(40 * C, C, 0).wait()
    gather(NMAIN * C, CT, 0).start()
    gather(41 * C, C, 1).wait()
    store(41 * C, C, 1).start()
    store(41 * C, C, 1).wait()
    gather(NMAIN * C, CT, 0).wait()
    store(NMAIN * C, CT, 0).start()
    store(NMAIN * C, CT, 0).wait()


_emb = pl.kernel(
    _emb_body,
    out_type=jax.ShapeDtypeStruct((B, D), jnp.float32),
    mesh=plsc.VectorSubcoreMesh(core_axis_name="c", subcore_axis_name="s"),
    scratch_types=[
        pltpu.VMEM((BPW,), jnp.int32),
        pltpu.VMEM((C, D), jnp.float32),
        pltpu.VMEM((C, D), jnp.float32),
        pltpu.SemaphoreType.DMA,
        pltpu.SemaphoreType.DMA,
        pltpu.SemaphoreType.DMA,
        pltpu.SemaphoreType.DMA,
    ],
)


def kernel(position_ids, weight):
    idx = position_ids.reshape(-1).astype(jnp.int32)
    out = _emb(idx, weight)
    return out.reshape(position_ids.shape + (weight.shape[1],))

# --- scband reference (transcript-rebuilt; emitter-appended) ---
"""Pipeline reference for scband-megatron-positional-embedding-39805756899864 (READ-ONLY COPY).

The authoritative reference and input builder live on the scoring server;
editing this copy changes nothing except your own understanding.
"""

import jax, jax.numpy as jnp
import numpy as np


def setup_inputs(seed: int = 0) -> dict:
    key = jax.random.key(seed)
    k1, k2 = jax.random.split(key)
    position_ids = jax.random.randint(k1, (4, 8192), 0, 8192, dtype=jnp.int64 if jax.config.jax_enable_x64 else jnp.int32)
    weight = jax.random.normal(k2, (8192, 2048), dtype=jnp.float32) * 0.02
    return {"position_ids": position_ids, "weight": weight}


def reference(position_ids, weight):
    # nn.functional.embedding(position_ids, weight)
    return jnp.take(weight, position_ids, axis=0)

if __name__ == "__main__":
    import jax
    _d = setup_inputs()
    print(jax.jit(kernel)(*tuple(_d.values())))

</pallas_src>

<mosaic_0001>
#map = affine_map<(d0, d1) -> (0)>
#map1 = affine_map<(d0, d1) -> (0, 0)>
module attributes {stable_mosaic.version = 14 : i64} {
  func.func @_emb_body(%arg0: i32, %arg1: i32, %arg2: memref<32768xi32, #tpu.memory_space<hbm>>, %arg3: memref<8192x2048xf32, #tpu.memory_space<hbm>>, %arg4: memref<32768x2048xf32, #tpu.memory_space<hbm>>, %arg5: memref<1024xi32, #tpu.memory_space<vmem>>, %arg6: memref<24x2048xf32, #tpu.memory_space<vmem>>, %arg7: memref<24x2048xf32, #tpu.memory_space<vmem>>, %arg8: memref<!tpu.dma_semaphore, #tpu.memory_space<semaphore_mem>>, %arg9: memref<!tpu.dma_semaphore, #tpu.memory_space<semaphore_mem>>, %arg10: memref<!tpu.dma_semaphore, #tpu.memory_space<semaphore_mem>>, %arg11: memref<!tpu.dma_semaphore, #tpu.memory_space<semaphore_mem>>) attributes {dimension_semantics = [#tpu.dimension_semantics<core_parallel>, #tpu.dimension_semantics<subcore_parallel>], iteration_bounds = array<i64: 2, 16>, scalar_prefetch = 0 : i64, scratch_operands = 7 : i64, tpu.core_type = #tpu.core_type<sc_vector_subcore>, window_params = [{transform_indices = #map}, {transform_indices = #map1}, {transform_indices = #map1}]} {
    %mul3A = arith.constant 16 : i32
    %mul3A_0 = arith.muli %arg0, %mul3A : i32
    %add3A = arith.addi %mul3A_0, %arg1 : i32
    %mul3A_1 = arith.constant 1024 : i32
    %mul3A_2 = arith.muli %add3A, %mul3A_1 : i32
    "tpu.region"() ({
      %run_scoped3A = tpu.sem_alloc : memref<!tpu.dma_semaphore, #tpu.memory_space<semaphore_mem>>
      %dma_start3A_126 = tpu.memref_slice %arg2[%mul3A_2] : memref<32768xi32, #tpu.memory_space<hbm>> -> memref<1024xi32, #tpu.memory_space<hbm>>
      %dma_start3A_127 = tpu.memref_slice %arg2[%mul3A_2] : memref<32768xi32, #tpu.memory_space<hbm>> -> memref<1024xi32, #tpu.memory_space<hbm>>
      tpu.enqueue_dma source(%dma_start3A_127 : memref<1024xi32, #tpu.memory_space<hbm>>) target(%arg5 : memref<1024xi32, #tpu.memory_space<vmem>>) target_semaphore(%run_scoped3A : memref<!tpu.dma_semaphore, #tpu.memory_space<semaphore_mem>>)
      %dma_wait3A_128 = tpu.memref_slice %arg2[%mul3A_2] : memref<32768xi32, #tpu.memory_space<hbm>> -> memref<1024xi32, #tpu.memory_space<hbm>>
      %dma_wait3A_129 = tpu.memref_slice %arg2[%mul3A_2] : memref<32768xi32, #tpu.memory_space<hbm>> -> memref<1024xi32, #tpu.memory_space<hbm>>
      tpu.wait_dma2 semaphore(%run_scoped3A : memref<!tpu.dma_semaphore, #tpu.memory_space<semaphore_mem>>) src(%dma_wait3A_129 : memref<1024xi32, #tpu.memory_space<hbm>>) dst(%arg5 : memref<1024xi32, #tpu.memory_space<vmem>>)
      tpu.yield
    }) : () -> ()
    %dma_start3A = arith.constant 0 : i32
    %dma_start3A_3 = arith.constant 0 : i32
    %dma_start3A_4 = tpu.memref_slice %arg6[%dma_start3A, %dma_start3A_3] : memref<24x2048xf32, #tpu.memory_space<vmem>> -> memref<24x2048xf32, #tpu.memory_space<vmem>>
    %dma_start3A_5 = arith.constant 0 : i32
    %dma_start3A_6 = tpu.memref_slice %arg5[%dma_start3A_5] : memref<1024xi32, #tpu.memory_space<vmem>> -> memref<24xi32, #tpu.memory_space<vmem>>
    %dma_start3A_7 = arith.constant 0 : i32
    %dma_start3A_8 = arith.constant 0 : i32
    %dma_start3A_9 = tpu.memref_slice %arg3[%dma_start3A_7, %dma_start3A_8] : memref<8192x2048xf32, #tpu.memory_space<hbm>> -> memref<8192x2048xf32, #tpu.memory_space<hbm>>
    tpu.enqueue_indirect_dma source(%dma_start3A_9 : memref<8192x2048xf32, #tpu.memory_space<hbm>>) target(%dma_start3A_4 : memref<24x2048xf32, #tpu.memory_space<vmem>>) offsets(%dma_start3A_6 : memref<24xi32, #tpu.memory_space<vmem>>) semaphore(%arg8 : memref<!tpu.dma_semaphore, #tpu.memory_space<semaphore_mem>>)
    %dma_start3A_10 = arith.constant 0 : i32
    %dma_start3A_11 = arith.constant 0 : i32
    %dma_start3A_12 = tpu.memref_slice %arg7[%dma_start3A_10, %dma_start3A_11] : memref<24x2048xf32, #tpu.memory_space<vmem>> -> memref<24x2048xf32, #tpu.memory_space<vmem>>
    %dma_start3A_13 = arith.constant 24 : i32
    %dma_start3A_14 = tpu.memref_slice %arg5[%dma_start3A_13] : memref<1024xi32, #tpu.memory_space<vmem>> -> memref<24xi32, #tpu.memory_space<vmem>>
    %dma_start3A_15 = arith.constant 0 : i32
    %dma_start3A_16 = arith.constant 0 : i32
    %dma_start3A_17 = tpu.memref_slice %arg3[%dma_start3A_15, %dma_start3A_16] : memref<8192x2048xf32, #tpu.memory_space<hbm>> -> memref<8192x2048xf32, #tpu.memory_space<hbm>>
    tpu.enqueue_indirect_dma source(%dma_start3A_17 : memref<8192x2048xf32, #tpu.memory_space<hbm>>) target(%dma_start3A_12 : memref<24x2048xf32, #tpu.memory_space<vmem>>) offsets(%dma_start3A_14 : memref<24xi32, #tpu.memory_space<vmem>>) semaphore(%arg9 : memref<!tpu.dma_semaphore, #tpu.memory_space<semaphore_mem>>)
    %scan3A = arith.constant 0 : i32
    %scan3A_18 = arith.constant 0 : i32
    %scan3A_19 = arith.constant 20 : i32
    %scan3A_20 = arith.addi %scan3A_18, %scan3A_19 : i32
    %scan3A_21 = arith.constant 1 : i32
    scf.for %scan3A_126 = %scan3A_18 to %scan3A_20 step %scan3A_21  : i32 {
      %mul3A_127 = arith.constant 2 : i32
      %mul3A_128 = arith.muli %mul3A_127, %scan3A_126 : i32
      %mul3A_129 = arith.constant 24 : i32
      %mul3A_130 = arith.muli %mul3A_128, %mul3A_129 : i32
      %dma_wait3A_131 = arith.constant 0 : i32
      %dma_wait3A_132 = arith.constant 0 : i32
      %dma_wait3A_133 = tpu.memref_slice %arg6[%dma_wait3A_131, %dma_wait3A_132] : memref<24x2048xf32, #tpu.memory_space<vmem>> -> memref<24x2048xf32, #tpu.memory_space<vmem>>
      %dma_wait3A_134 = tpu.memref_slice %arg5[%mul3A_130] : memref<1024xi32, #tpu.memory_space<vmem>> -> memref<24xi32, #tpu.memory_space<vmem>>
      %dma_wait3A_135 = arith.constant 0 : i32
      %dma_wait3A_136 = arith.constant 0 : i32
      %dma_wait3A_137 = tpu.memref_slice %arg3[%dma_wait3A_135, %dma_wait3A_136] : memref<8192x2048xf32, #tpu.memory_space<hbm>> -> memref<8192x2048xf32, #tpu.memory_space<hbm>>
      tpu.wait_indirect_dma semaphore(%arg8 : memref<!tpu.dma_semaphore, #tpu.memory_space<semaphore_mem>>) src(%dma_wait3A_137 : memref<8192x2048xf32, #tpu.memory_space<hbm>>) dst(%dma_wait3A_133 : memref<24x2048xf32, #tpu.memory_space<vmem>>)
      %mul3A_138 = arith.constant 24 : i32
      %mul3A_139 = arith.muli %mul3A_128, %mul3A_138 : i32
      %add3A_140 = arith.addi %mul3A_2, %mul3A_139 : i32
      %dma_start3A_141 = arith.constant 0 : i32
      %dma_start3A_142 = arith.constant 0 : i32
      %dma_start3A_143 = tpu.memref_slice %arg6[%dma_start3A_141, %dma_start3A_142] : memref<24x2048xf32, #tpu.memory_space<vmem>> -> memref<24x2048xf32, #tpu.memory_space<vmem>>
      %dma_start3A_144 = arith.constant 0 : i32
      %dma_start3A_145 = tpu.memref_slice %arg4[%add3A_140, %dma_start3A_144] : memref<32768x2048xf32, #tpu.memory_space<hbm>> -> memref<24x2048xf32, #tpu.memory_space<hbm>>
      %dma_start3A_146 = arith.constant 0 : i32
      %dma_start3A_147 = tpu.memref_slice %arg4[%add3A_140, %dma_start3A_146] : memref<32768x2048xf32, #tpu.memory_space<hbm>> -> memref<24x2048xf32, #tpu.memory_space<hbm>>
      %dma_start3A_148 = arith.constant 0 : i32
      %dma_start3A_149 = arith.constant 0 : i32
      %dma_start3A_150 = tpu.memref_slice %arg6[%dma_start3A_148, %dma_start3A_149] : memref<24x2048xf32, #tpu.memory_space<vmem>> -> memref<24x2048xf32, #tpu.memory_space<vmem>>
      tpu.enqueue_dma source(%dma_start3A_150 : memref<24x2048xf32, #tpu.memory_space<vmem>>) target(%dma_start3A_147 : memref<24x2048xf32, #tpu.memory_space<hbm>>) target_semaphore(%arg10 : memref<!tpu.dma_semaphore, #tpu.memory_space<semaphore_mem>>)
      %mul3A_151 = arith.constant 24 : i32
      %mul3A_152 = arith.muli %mul3A_128, %mul3A_151 : i32
      %add3A_153 = arith.addi %mul3A_2, %mul3A_152 : i32
      %dma_wait3A_154 = arith.constant 0 : i32
      %dma_wait3A_155 = arith.constant 0 : i32
      %dma_wait3A_156 = tpu.memref_slice %arg6[%dma_wait3A_154, %dma_wait3A_155] : memref<24x2048xf32, #tpu.memory_space<vmem>> -> memref<24x2048xf32, #tpu.memory_space<vmem>>
      %dma_wait3A_157 = arith.constant 0 : i32
      %dma_wait3A_158 = tpu.memref_slice %arg4[%add3A_153, %dma_wait3A_157] : memref<32768x2048xf32, #tpu.memory_space<hbm>> -> memref<24x2048xf32, #tpu.memory_space<hbm>>
      %dma_wait3A_159 = arith.constant 0 : i32
      %dma_wait3A_160 = tpu.memref_slice %arg4[%add3A_153, %dma_wait3A_159] : memref<32768x2048xf32, #tpu.memory_space<hbm>> -> memref<24x2048xf32, #tpu.memory_space<hbm>>
      %dma_wait3A_161 = arith.constant 0 : i32
      %dma_wait3A_162 = arith.constant 0 : i32
      %dma_wait3A_163 = tpu.memref_slice %arg6[%dma_wait3A_161, %dma_wait3A_162] : memref<24x2048xf32, #tpu.memory_space<vmem>> -> memref<24x2048xf32, #tpu.memory_space<vmem>>
      tpu.wait_dma2 semaphore(%arg10 : memref<!tpu.dma_semaphore, #tpu.memory_space<semaphore_mem>>) src(%dma_wait3A_163 : memref<24x2048xf32, #tpu.memory_space<vmem>>) dst(%dma_wait3A_160 : memref<24x2048xf32, #tpu.memory_space<hbm>>)
      %add3A_164 = arith.constant 2 : i32
      %add3A_165 = arith.addi %mul3A_128, %add3A_164 : i32
      %mul3A_166 = arith.constant 24 : i32
      %mul3A_167 = arith.muli %add3A_165, %mul3A_166 : i32
      %dma_start3A_168 = arith.constant 0 : i32
      %dma_start3A_169 = arith.constant 0 : i32
      %dma_start3A_170 = tpu.memref_slice %arg6[%dma_start3A_168, %dma_start3A_169] : memref<24x2048xf32, #tpu.memory_space<vmem>> -> memref<24x2048xf32, #tpu.memory_space<vmem>>
      %dma_start3A_171 = tpu.memref_slice %arg5[%mul3A_167] : memref<1024xi32, #tpu.memory_space<vmem>> -> memref<24xi32, #tpu.memory_space<vmem>>
      %dma_start3A_172 = arith.constant 0 : i32
      %dma_start3A_173 = arith.constant 0 : i32
      %dma_start3A_174 = tpu.memref_slice %arg3[%dma_start3A_172, %dma_start3A_173] : memref<8192x2048xf32, #tpu.memory_space<hbm>> -> memref<8192x2048xf32, #tpu.memory_space<hbm>>
      tpu.enqueue_indirect_dma source(%dma_start3A_174 : memref<8192x2048xf32, #tpu.memory_space<hbm>>) target(%dma_start3A_170 : memref<24x2048xf32, #tpu.memory_space<vmem>>) offsets(%dma_start3A_171 : memref<24xi32, #tpu.memory_space<vmem>>) semaphore(%arg8 : memref<!tpu.dma_semaphore, #tpu.memory_space<semaphore_mem>>)
      %mul3A_175 = arith.constant 2 : i32
      %mul3A_176 = arith.muli %mul3A_175, %scan3A_126 : i32
      %add3A_177 = arith.constant 1 : i32
      %add3A_178 = arith.addi %mul3A_176, %add3A_177 : i32
      %mul3A_179 = arith.constant 24 : i32
      %mul3A_180 = arith.muli %add3A_178, %mul3A_179 : i32
      %dma_wait3A_181 = arith.constant 0 : i32
      %dma_wait3A_182 = arith.constant 0 : i32
      %dma_wait3A_183 = tpu.memref_slice %arg7[%dma_wait3A_181, %dma_wait3A_182] : memref<24x2048xf32, #tpu.memory_space<vmem>> -> memref<24x2048xf32, #tpu.memory_space<vmem>>
      %dma_wait3A_184 = tpu.memref_slice %arg5[%mul3A_180] : memref<1024xi32, #tpu.memory_space<vmem>> -> memref<24xi32, #tpu.memory_space<vmem>>
      %dma_wait3A_185 = arith.constant 0 : i32
      %dma_wait3A_186 = arith.constant 0 : i32
      %dma_wait3A_187 = tpu.memref_slice %arg3[%dma_wait3A_185, %dma_wait3A_186] : memref<8192x2048xf32, #tpu.memory_space<hbm>> -> memref<8192x2048xf32, #tpu.memory_space<hbm>>
      tpu.wait_indirect_dma semaphore(%arg9 : memref<!tpu.dma_semaphore, #tpu.memory_space<semaphore_mem>>) src(%dma_wait3A_187 : memref<8192x2048xf32, #tpu.memory_space<hbm>>) dst(%dma_wait3A_183 : memref<24x2048xf32, #tpu.memory_space<vmem>>)
      %mul3A_188 = arith.constant 24 : i32
      %mul3A_189 = arith.muli %add3A_178, %mul3A_188 : i32
      %add3A_190 = arith.addi %mul3A_2, %mul3A_189 : i32
      %dma_start3A_191 = arith.constant 0 : i32
      %dma_start3A_192 = arith.constant 0 : i32
      %dma_start3A_193 = tpu.memref_slice %arg7[%dma_start3A_191, %dma_start3A_192] : memref<24x2048xf32, #tpu.memory_space<vmem>> -> memref<24x2048xf32, #tpu.memory_space<vmem>>
      %dma_start3A_194 = arith.constant 0 : i32
      %dma_start3A_195 = tpu.memref_slice %arg4[%add3A_190, %dma_start3A_194] : memref<32768x2048xf32, #tpu.memory_space<hbm>> -> memref<24x2048xf32, #tpu.memory_space<hbm>>
      %dma_start3A_196 = arith.constant 0 : i32
      %dma_start3A_197 = tpu.memref_slice %arg4[%add3A_190, %dma_start3A_196] : memref<32768x2048xf32, #tpu.memory_space<hbm>> -> memref<24x2048xf32, #tpu.memory_space<hbm>>
      %dma_start3A_198 = arith.constant 0 : i32
      %dma_start3A_199 = arith.constant 0 : i32
      %dma_start3A_200 = tpu.memref_slice %arg7[%dma_start3A_198, %dma_start3A_199] : memref<24x2048xf32, #tpu.memory_space<vmem>> -> memref<24x2048xf32, #tpu.memory_space<vmem>>
      tpu.enqueue_dma source(%dma_start3A_200 : memref<24x2048xf32, #tpu.memory_space<vmem>>) target(%dma_start3A_197 : memref<24x2048xf32, #tpu.memory_space<hbm>>) target_semaphore(%arg11 : memref<!tpu.dma_semaphore, #tpu.memory_space<semaphore_mem>>)
      %mul3A_201 = arith.constant 24 : i32
      %mul3A_202 = arith.muli %add3A_178, %mul3A_201 : i32
      %add3A_203 = arith.addi %mul3A_2, %mul3A_202 : i32
      %dma_wait3A_204 = arith.constant 0 : i32
      %dma_wait3A_205 = arith.constant 0 : i32
      %dma_wait3A_206 = tpu.memref_slice %arg7[%dma_wait3A_204, %dma_wait3A_205] : memref<24x2048xf32, #tpu.memory_space<vmem>> -> memref<24x2048xf32, #tpu.memory_space<vmem>>
      %dma_wait3A_207 = arith.constant 0 : i32
      %dma_wait3A_208 = tpu.memref_slice %arg4[%add3A_203, %dma_wait3A_207] : memref<32768x2048xf32, #tpu.memory_space<hbm>> -> memref<24x2048xf32, #tpu.memory_space<hbm>>
      %dma_wait3A_209 = arith.constant 0 : i32
      %dma_wait3A_210 = tpu.memref_slice %arg4[%add3A_203, %dma_wait3A_209] : memref<32768x2048xf32, #tpu.memory_space<hbm>> -> memref<24x2048xf32, #tpu.memory_space<hbm>>
      %dma_wait3A_211 = arith.constant 0 : i32
      %dma_wait3A_212 = arith.constant 0 : i32
      %dma_wait3A_213 = tpu.memref_slice %arg7[%dma_wait3A_211, %dma_wait3A_212] : memref<24x2048xf32, #tpu.memory_space<vmem>> -> memref<24x2048xf32, #tpu.memory_space<vmem>>
      tpu.wait_dma2 semaphore(%arg11 : memref<!tpu.dma_semaphore, #tpu.memory_space<semaphore_mem>>) src(%dma_wait3A_213 : memref<24x2048xf32, #tpu.memory_space<vmem>>) dst(%dma_wait3A_210 : memref<24x2048xf32, #tpu.memory_space<hbm>>)
      %add3A_214 = arith.constant 2 : i32
      %add3A_215 = arith.addi %add3A_178, %add3A_214 : i32
      %mul3A_216 = arith.constant 24 : i32
      %mul3A_217 = arith.muli %add3A_215, %mul3A_216 : i32
      %dma_start3A_218 = arith.constant 0 : i32
      %dma_start3A_219 = arith.constant 0 : i32
      %dma_start3A_220 = tpu.memref_slice %arg7[%dma_start3A_218, %dma_start3A_219] : memref<24x2048xf32, #tpu.memory_space<vmem>> -> memref<24x2048xf32, #tpu.memory_space<vmem>>
      %dma_start3A_221 = tpu.memref_slice %arg5[%mul3A_217] : memref<1024xi32, #tpu.memory_space<vmem>> -> memref<24xi32, #tpu.memory_space<vmem>>
      %dma_start3A_222 = arith.constant 0 : i32
      %dma_start3A_223 = arith.constant 0 : i32
      %dma_start3A_224 = tpu.memref_slice %arg3[%dma_start3A_222, %dma_start3A_223] : memref<8192x2048xf32, #tpu.memory_space<hbm>> -> memref<8192x2048xf32, #tpu.memory_space<hbm>>
      tpu.enqueue_indirect_dma source(%dma_start3A_224 : memref<8192x2048xf32, #tpu.memory_space<hbm>>) target(%dma_start3A_220 : memref<24x2048xf32, #tpu.memory_space<vmem>>) offsets(%dma_start3A_221 : memref<24xi32, #tpu.memory_space<vmem>>) semaphore(%arg9 : memref<!tpu.dma_semaphore, #tpu.memory_space<semaphore_mem>>)
    }
    %scan3A_22 = arith.constant 20 : i32
    %dma_wait3A = arith.constant 0 : i32
    %dma_wait3A_23 = arith.constant 0 : i32
    %dma_wait3A_24 = tpu.memref_slice %arg6[%dma_wait3A, %dma_wait3A_23] : memref<24x2048xf32, #tpu.memory_space<vmem>> -> memref<24x2048xf32, #tpu.memory_space<vmem>>
    %dma_wait3A_25 = arith.constant 960 : i32
    %dma_wait3A_26 = tpu.memref_slice %arg5[%dma_wait3A_25] : memref<1024xi32, #tpu.memory_space<vmem>> -> memref<24xi32, #tpu.memory_space<vmem>>
    %dma_wait3A_27 = arith.constant 0 : i32
    %dma_wait3A_28 = arith.constant 0 : i32
    %dma_wait3A_29 = tpu.memref_slice %arg3[%dma_wait3A_27, %dma_wait3A_28] : memref<8192x2048xf32, #tpu.memory_space<hbm>> -> memref<8192x2048xf32, #tpu.memory_space<hbm>>
    tpu.wait_indirect_dma semaphore(%arg8 : memref<!tpu.dma_semaphore, #tpu.memory_space<semaphore_mem>>) src(%dma_wait3A_29 : memref<8192x2048xf32, #tpu.memory_space<hbm>>) dst(%dma_wait3A_24 : memref<24x2048xf32, #tpu.memory_space<vmem>>)
    %add3A_30 = arith.constant 960 : i32
    %add3A_31 = arith.addi %mul3A_2, %add3A_30 : i32
    %dma_start3A_32 = arith.constant 0 : i32
    %dma_start3A_33 = arith.constant 0 : i32
    %dma_start3A_34 = tpu.memref_slice %arg6[%dma_start3A_32, %dma_start3A_33] : memref<24x2048xf32, #tpu.memory_space<vmem>> -> memref<24x2048xf32, #tpu.memory_space<vmem>>
    %dma_start3A_35 = arith.constant 0 : i32
    %dma_start3A_36 = tpu.memref_slice %arg4[%add3A_31, %dma_start3A_35] : memref<32768x2048xf32, #tpu.memory_space<hbm>> -> memref<24x2048xf32, #tpu.memory_space<hbm>>
    %dma_start3A_37 = arith.constant 0 : i32
    %dma_start3A_38 = tpu.memref_slice %arg4[%add3A_31, %dma_start3A_37] : memref<32768x2048xf32, #tpu.memory_space<hbm>> -> memref<24x2048xf32, #tpu.memory_space<hbm>>
    %dma_start3A_39 = arith.constant 0 : i32
    %dma_start3A_40 = arith.constant 0 : i32
    %dma_start3A_41 = tpu.memref_slice %arg6[%dma_start3A_39, %dma_start3A_40] : memref<24x2048xf32, #tpu.memory_space<vmem>> -> memref<24x2048xf32, #tpu.memory_space<vmem>>
    tpu.enqueue_dma source(%dma_start3A_41 : memref<24x2048xf32, #tpu.memory_space<vmem>>) target(%dma_start3A_38 : memref<24x2048xf32, #tpu.memory_space<hbm>>) target_semaphore(%arg10 : memref<!tpu.dma_semaphore, #tpu.memory_space<semaphore_mem>>)
    %add3A_42 = arith.constant 960 : i32
    %add3A_43 = arith.addi %mul3A_2, %add3A_42 : i32
    %dma_wait3A_44 = arith.constant 0 : i32
    %dma_wait3A_45 = arith.constant 0 : i32
    %dma_wait3A_46 = tpu.memref_slice %arg6[%dma_wait3A_44, %dma_wait3A_45] : memref<24x2048xf32, #tpu.memory_space<vmem>> -> memref<24x2048xf32, #tpu.memory_space<vmem>>
    %dma_wait3A_47 = arith.constant 0 : i32
    %dma_wait3A_48 = tpu.memref_slice %arg4[%add3A_43, %dma_wait3A_47] : memref<32768x2048xf32, #tpu.memory_space<hbm>> -> memref<24x2048xf32, #tpu.memory_space<hbm>>
    %dma_wait3A_49 = arith.constant 0 : i32
    %dma_wait3A_50 = tpu.memref_slice %arg4[%add3A_43, %dma_wait3A_49] : memref<32768x2048xf32, #tpu.memory_space<hbm>> -> memref<24x2048xf32, #tpu.memory_space<hbm>>
    %dma_wait3A_51 = arith.constant 0 : i32
    %dma_wait3A_52 = arith.constant 0 : i32
    %dma_wait3A_53 = tpu.memref_slice %arg6[%dma_wait3A_51, %dma_wait3A_52] : memref<24x2048xf32, #tpu.memory_space<vmem>> -> memref<24x2048xf32, #tpu.memory_space<vmem>>
    tpu.wait_dma2 semaphore(%arg10 : memref<!tpu.dma_semaphore, #tpu.memory_space<semaphore_mem>>) src(%dma_wait3A_53 : memref<24x2048xf32, #tpu.memory_space<vmem>>) dst(%dma_wait3A_50 : memref<24x2048xf32, #tpu.memory_space<hbm>>)
    %dma_start3A_54 = arith.constant 0 : i32
    %dma_start3A_55 = arith.constant 0 : i32
    %dma_start3A_56 = tpu.memref_slice %arg6[%dma_start3A_54, %dma_start3A_55] : memref<24x2048xf32, #tpu.memory_space<vmem>> -> memref<16x2048xf32, #tpu.memory_space<vmem>>
    %dma_start3A_57 = arith.constant 1008 : i32
    %dma_start3A_58 = tpu.memref_slice %arg5[%dma_start3A_57] : memref<1024xi32, #tpu.memory_space<vmem>> -> memref<16xi32, #tpu.memory_space<vmem>>
    %dma_start3A_59 = arith.constant 0 : i32
    %dma_start3A_60 = arith.constant 0 : i32
    %dma_start3A_61 = tpu.memref_slice %arg3[%dma_start3A_59, %dma_start3A_60] : memref<8192x2048xf32, #tpu.memory_space<hbm>> -> memref<8192x2048xf32, #tpu.memory_space<hbm>>
    tpu.enqueue_indirect_dma source(%dma_start3A_61 : memref<8192x2048xf32, #tpu.memory_space<hbm>>) target(%dma_start3A_56 : memref<16x2048xf32, #tpu.memory_space<vmem>>) offsets(%dma_start3A_58 : memref<16xi32, #tpu.memory_space<vmem>>) semaphore(%arg8 : memref<!tpu.dma_semaphore, #tpu.memory_space<semaphore_mem>>)
    %dma_wait3A_62 = arith.constant 0 : i32
    %dma_wait3A_63 = arith.constant 0 : i32
    %dma_wait3A_64 = tpu.memref_slice %arg7[%dma_wait3A_62, %dma_wait3A_63] : memref<24x2048xf32, #tpu.memory_space<vmem>> -> memref<24x2048xf32, #tpu.memory_space<vmem>>
    %dma_wait3A_65 = arith.constant 984 : i32
    %dma_wait3A_66 = tpu.memref_slice %arg5[%dma_wait3A_65] : memref<1024xi32, #tpu.memory_space<vmem>> -> memref<24xi32, #tpu.memory_space<vmem>>
    %dma_wait3A_67 = arith.constant 0 : i32
    %dma_wait3A_68 = arith.constant 0 : i32
    %dma_wait3A_69 = tpu.memref_slice %arg3[%dma_wait3A_67, %dma_wait3A_68] : memref<8192x2048xf32, #tpu.memory_space<hbm>> -> memref<8192x2048xf32, #tpu.memory_space<hbm>>
    tpu.wait_indirect_dma semaphore(%arg9 : memref<!tpu.dma_semaphore, #tpu.memory_space<semaphore_mem>>) src(%dma_wait3A_69 : memref<8192x2048xf32, #tpu.memory_space<hbm>>) dst(%dma_wait3A_64 : memref<24x2048xf32, #tpu.memory_space<vmem>>)
    %add3A_70 = arith.constant 984 : i32
    %add3A_71 = arith.addi %mul3A_2, %add3A_70 : i32
    %dma_start3A_72 = arith.constant 0 : i32
    %dma_start3A_73 = arith.constant 0 : i32
    %dma_start3A_74 = tpu.memref_slice %arg7[%dma_start3A_72, %dma_start3A_73] : memref<24x2048xf32, #tpu.memory_space<vmem>> -> memref<24x2048xf32, #tpu.memory_space<vmem>>
    %dma_start3A_75 = arith.constant 0 : i32
    %dma_start3A_76 = tpu.memref_slice %arg4[%add3A_71, %dma_start3A_75] : memref<32768x2048xf32, #tpu.memory_space<hbm>> -> memref<24x2048xf32, #tpu.memory_space<hbm>>
    %dma_start3A_77 = arith.constant 0 : i32
    %dma_start3A_78 = tpu.memref_slice %arg4[%add3A_71, %dma_start3A_77] : memref<32768x2048xf32, #tpu.memory_space<hbm>> -> memref<24x2048xf32, #tpu.memory_space<hbm>>
    %dma_start3A_79 = arith.constant 0 : i32
    %dma_start3A_80 = arith.constant 0 : i32
    %dma_start3A_81 = tpu.memref_slice %arg7[%dma_start3A_79, %dma_start3A_80] : memref<24x2048xf32, #tpu.memory_space<vmem>> -> memref<24x2048xf32, #tpu.memory_space<vmem>>
    tpu.enqueue_dma source(%dma_start3A_81 : memref<24x2048xf32, #tpu.memory_space<vmem>>) target(%dma_start3A_78 : memref<24x2048xf32, #tpu.memory_space<hbm>>) target_semaphore(%arg11 : memref<!tpu.dma_semaphore, #tpu.memory_space<semaphore_mem>>)
    %add3A_82 = arith.constant 984 : i32
    %add3A_83 = arith.addi %mul3A_2, %add3A_82 : i32
    %dma_wait3A_84 = arith.constant 0 : i32
    %dma_wait3A_85 = arith.constant 0 : i32
    %dma_wait3A_86 = tpu.memref_slice %arg7[%dma_wait3A_84, %dma_wait3A_85] : memref<24x2048xf32, #tpu.memory_space<vmem>> -> memref<24x2048xf32, #tpu.memory_space<vmem>>
    %dma_wait3A_87 = arith.constant 0 : i32
    %dma_wait3A_88 = tpu.memref_slice %arg4[%add3A_83, %dma_wait3A_87] : memref<32768x2048xf32, #tpu.memory_space<hbm>> -> memref<24x2048xf32, #tpu.memory_space<hbm>>
    %dma_wait3A_89 = arith.constant 0 : i32
    %dma_wait3A_90 = tpu.memref_slice %arg4[%add3A_83, %dma_wait3A_89] : memref<32768x2048xf32, #tpu.memory_space<hbm>> -> memref<24x2048xf32, #tpu.memory_space<hbm>>
    %dma_wait3A_91 = arith.constant 0 : i32
    %dma_wait3A_92 = arith.constant 0 : i32
    %dma_wait3A_93 = tpu.memref_slice %arg7[%dma_wait3A_91, %dma_wait3A_92] : memref<24x2048xf32, #tpu.memory_space<vmem>> -> memref<24x2048xf32, #tpu.memory_space<vmem>>
    tpu.wait_dma2 semaphore(%arg11 : memref<!tpu.dma_semaphore, #tpu.memory_space<semaphore_mem>>) src(%dma_wait3A_93 : memref<24x2048xf32, #tpu.memory_space<vmem>>) dst(%dma_wait3A_90 : memref<24x2048xf32, #tpu.memory_space<hbm>>)
    %dma_wait3A_94 = arith.constant 0 : i32
    %dma_wait3A_95 = arith.constant 0 : i32
    %dma_wait3A_96 = tpu.memref_slice %arg6[%dma_wait3A_94, %dma_wait3A_95] : memref<24x2048xf32, #tpu.memory_space<vmem>> -> memref<16x2048xf32, #tpu.memory_space<vmem>>
    %dma_wait3A_97 = arith.constant 1008 : i32
    %dma_wait3A_98 = tpu.memref_slice %arg5[%dma_wait3A_97] : memref<1024xi32, #tpu.memory_space<vmem>> -> memref<16xi32, #tpu.memory_space<vmem>>
    %dma_wait3A_99 = arith.constant 0 : i32
    %dma_wait3A_100 = arith.constant 0 : i32
    %dma_wait3A_101 = tpu.memref_slice %arg3[%dma_wait3A_99, %dma_wait3A_100] : memref<8192x2048xf32, #tpu.memory_space<hbm>> -> memref<8192x2048xf32, #tpu.memory_space<hbm>>
    tpu.wait_indirect_dma semaphore(%arg8 : memref<!tpu.dma_semaphore, #tpu.memory_space<semaphore_mem>>) src(%dma_wait3A_101 : memref<8192x2048xf32, #tpu.memory_space<hbm>>) dst(%dma_wait3A_96 : memref<16x2048xf32, #tpu.memory_space<vmem>>)
    %add3A_102 = arith.constant 1008 : i32
    %add3A_103 = arith.addi %mul3A_2, %add3A_102 : i32
    %dma_start3A_104 = arith.constant 0 : i32
    %dma_start3A_105 = arith.constant 0 : i32
    %dma_start3A_106 = tpu.memref_slice %arg6[%dma_start3A_104, %dma_start3A_105] : memref<24x2048xf32, #tpu.memory_space<vmem>> -> memref<16x2048xf32, #tpu.memory_space<vmem>>
    %dma_start3A_107 = arith.constant 0 : i32
    %dma_start3A_108 = tpu.memref_slice %arg4[%add3A_103, %dma_start3A_107] : memref<32768x2048xf32, #tpu.memory_space<hbm>> -> memref<16x2048xf32, #tpu.memory_space<hbm>>
    %dma_start3A_109 = arith.constant 0 : i32
    %dma_start3A_110 = tpu.memref_slice %arg4[%add3A_103, %dma_start3A_109] : memref<32768x2048xf32, #tpu.memory_space<hbm>> -> memref<16x2048xf32, #tpu.memory_space<hbm>>
    %dma_start3A_111 = arith.constant 0 : i32
    %dma_start3A_112 = arith.constant 0 : i32
    %dma_start3A_113 = tpu.memref_slice %arg6[%dma_start3A_111, %dma_start3A_112] : memref<24x2048xf32, #tpu.memory_space<vmem>> -> memref<16x2048xf32, #tpu.memory_space<vmem>>
    tpu.enqueue_dma source(%dma_start3A_113 : memref<16x2048xf32, #tpu.memory_space<vmem>>) target(%dma_start3A_110 : memref<16x2048xf32, #tpu.memory_space<hbm>>) target_semaphore(%arg10 : memref<!tpu.dma_semaphore, #tpu.memory_space<semaphore_mem>>)
    %add3A_114 = arith.constant 1008 : i32
    %add3A_115 = arith.addi %mul3A_2, %add3A_114 : i32
    %dma_wait3A_116 = arith.constant 0 : i32
    %dma_wait3A_117 = arith.constant 0 : i32
    %dma_wait3A_118 = tpu.memref_slice %arg6[%dma_wait3A_116, %dma_wait3A_117] : memref<24x2048xf32, #tpu.memory_space<vmem>> -> memref<16x2048xf32, #tpu.memory_space<vmem>>
    %dma_wait3A_119 = arith.constant 0 : i32
    %dma_wait3A_120 = tpu.memref_slice %arg4[%add3A_115, %dma_wait3A_119] : memref<32768x2048xf32, #tpu.memory_space<hbm>> -> memref<16x2048xf32, #tpu.memory_space<hbm>>
    %dma_wait3A_121 = arith.constant 0 : i32
    %dma_wait3A_122 = tpu.memref_slice %arg4[%add3A_115, %dma_wait3A_121] : memref<32768x2048xf32, #tpu.memory_space<hbm>> -> memref<16x2048xf32, #tpu.memory_space<hbm>>
    %dma_wait3A_123 = arith.constant 0 : i32
    %dma_wait3A_124 = arith.constant 0 : i32
    %dma_wait3A_125 = tpu.memref_slice %arg6[%dma_wait3A_123, %dma_wait3A_124] : memref<24x2048xf32, #tpu.memory_space<vmem>> -> memref<16x2048xf32, #tpu.memory_space<vmem>>
    tpu.wait_dma2 semaphore(%arg10 : memref<!tpu.dma_semaphore, #tpu.memory_space<semaphore_mem>>) src(%dma_wait3A_125 : memref<16x2048xf32, #tpu.memory_space<vmem>>) dst(%dma_wait3A_122 : memref<16x2048xf32, #tpu.memory_space<hbm>>)
    return
  }
}

</mosaic_0001>

<sc_bundles>
// kernel: kernel.3.cloned.1.call-start
scs
__scs_entry_jumppad:
0x0: {  	(pc) =	sbr.rel $0x88, $3  }
0x1: {  	(tag) =	ssettag $0x0;
	lr =	simm.s32 $0x1  }
0x2: {  	[smem:$0x3F9F] =	sst lr;
	_ =	strace $0xD0000000  }
0x3: {  	_ = 	snop  }
0x4: {  	_ = 	snop  }
0x5: {  	_ = 	snop  }
0x6: {  	_ = 	snop  }
0x7: {  	_ = 	snop  }
__scs_overlays_trampoline_lowered:
0x8: {  	[smem:$0x3FAE] =	sst s0  }
0x9: {  	[smem:$0x3FAF] =	sst s1  }
0xa: {  	[smem:$0x3FB0] =	sst s2  }
0xb: {  	[smem:$0x3FB1] =	sst s3  }
0xc: {  	[smem:$0x3FB2] =	sst s4  }
0xd: {  	[smem:$0x3FB3] =	sst s5  }
0xe: {  	[smem:$0x3FB4] =	sst s6  }
0xf: {  	[smem:$0x3FB5] =	sst s7  }
0x10: {  	[smem:$0x3FB6] =	sst s8  }
0x11: {  	[smem:$0x3FB7] =	sst s9;
	s0 =	simm.s32 @!p0 $0x0  }
0x12: {  	s1 =	sld [smem:$0x3F9D];
	s0 =	simm.s32 @p0 $0x1  }
0x13: {  	[smem:$0x3FB8] =	sst s0;
	s0 =	simm.s32 @!p1 $0x0  }
0x14: {  	s2 =	sld [smem:$0x3F9C];
	s0 =	simm.s32 @p1 $0x1  }
0x15: {  	[smem:$0x3FB9] =	sst s0;
	s0 =	simm.s32 @!p2 $0x0  }
0x16: {  	s3 =	sld [smem:$0x3FDB];
	s0 =	simm.s32 @p2 $0x1  }
0x17: {  	s4 =	simm.s32 $0x1BF5;
	[smem:$0x3FBB] =	sst s0  }
0x18: {  	s0 =	sld [smem:$0x3F9E];
	_ =	swait.ge [sflag:s4], $0x0  }
0x19: {  	s7 =	sld [smem:$0x3F9F]  }
0x1a: {  	s8 =	sadd.s32 $0xFFFFE003, lr  }
0x1b: {  	s9 =	sadd.s32 $0xFFFFFEF7, lr;
	s5 =	simm.s32 $0xFFFFFFFF;
	p2 =	slt.u32 s8, $0xFFFFF086  }
0x1c: {  	p1 =	slt.u32 s9, $0xF7A;
	s5 =	simm.s32 @!p2 $0x0  }
0x1d: {  	s5 =	simm.s32 @p1 $0x1;
	p0 =	seq.s32 s7, s2  }
0x1e: {  	s7 =	smul.u32 @!p0 $0xF7A, s2;
	p2 =	seq.s32 @!p0 s5, $0x0  }
0x1f: {  	s9 =	smul.u32 $0xF7A, s1;
	s8 =	simm.s32 @!p0 $0x1BF5;
	p2 =	por !p2, p0  }
0x20: {  	[sflag:s8] =	ssyncset.s32 @!p0 $0xFFFFF086;
	s6 =	sadd.s32 @!p0 s3, s7;
	s7 =	simm.s32 @!p0 $0x108  }
0x21: {  	s3 =	sadd.s32 s3, s9;
	s6 =	sadd.s32 @!p0 $0x88, s6;
	s7 =	simm.s32 @p2 $0x1082  }
0x22: {  	[simem:s7], [sflag:s8] =	dma.local @!p0 [hbm:s6], $0xF7A  }
0x23: {  	s9 =	sor.u32 $0xD0000000, s2;
	s6 =	simm.s32 $0x108;
	_ =	swait.ge @!p0 [sflag:s8], $0x0  }
0x24: {  	s3 =	sadd.s32 $0x88, s3;
	s6 =	simm.s32 @!p1 $0x1082;
	[sflag:s4] =	ssyncset.s32 $0xFFFFF086  }
0x25: {  	[simem:s6], [sflag:s4] =	dma.local [hbm:s3], $0xF7A  }
0x26: {  	[smem:$0x3F9F] =	sst s1;
	(tag) =	ssettag s2;
	_ =	strace s9  }
0x27: {  	s1 =	sld [smem:$0x3FAF]  }
0x28: {  	s2 =	sld [smem:$0x3FB0]  }
0x29: {  	s4 =	sld [smem:$0x3FB2]  }
0x2a: {  	p0 =	seq.s32 s5, $0x0;
	s5 =	sld [smem:$0x3FB3]  }
0x2b: {  	s6 =	sld [smem:$0x3FB4]  }
0x2c: {  	s7 =	sld [smem:$0x3FB5]  }
0x2d: {  	s3 =	simm.s32 $0x108;
	s8 =	sld [smem:$0x3FB6]  }
0x2e: {  	s3 =	simm.s32 @!p0 $0x1082;
	s9 =	sld [smem:$0x3FB7]  }
0x2f: {  	lr =	sadd.s32 s0, s3;
	s0 =	sld [smem:$0x3FAE]  }
0x30: {  	s3 =	sld [smem:$0x3FB1]  }
0x31: {  	[smem:$0x3FBA] =	sst s10  }
0x32: {  	s10 =	sld [smem:$0x3FB8];
	_ =	sdelay $0x3  }
0x33: {  	p0 =	seq.s32 s10, $0x1;
	s10 =	sld [smem:$0x3FBA];
	_ =	sdelay $0x3  }
0x34: {  	[smem:$0x3FBA] =	sst s10  }
0x35: {  	s10 =	sld [smem:$0x3FB9];
	_ =	sdelay $0x3  }
0x36: {  	p1 =	seq.s32 s10, $0x1;
	s10 =	sld [smem:$0x3FBA];
	_ =	sdelay $0x3  }
0x37: {  	[smem:$0x3FBA] =	sst s10  }
0x38: {  	s10 =	sld [smem:$0x3FBB]  }
0x39: {  	_ = 	snop;
	(pc) =	sbr.ind lr, $3  }
0x3a: {  	_ = 	snop  }
0x3b: {  	_ = 	snop  }
0x3c: {  	p2 =	seq.s32 s10, $0x1;
	s10 =	sld [smem:$0x3FBA]  }
0x3d: {  	_ =	shalt  }
0x3e: {  	_ =	shalt  }
0x3f: {  	_ =	shalt  }
0x40: {  	_ =	shalt  }
0x41: {  	_ =	shalt  }
0x42: {  	_ =	shalt  }
0x43: {  	_ =	shalt  }
0x44: {  	_ =	shalt  }
0x45: {  	_ =	shalt  }
0x46: {  	_ =	shalt  }
0x47: {  	_ =	shalt  }
0x48: {  	_ =	shalt  }
0x49: {  	_ =	shalt  }
0x4a: {  	_ =	shalt  }
0x4b: {  	_ =	shalt  }
0x4c: {  	_ =	shalt  }
0x4d: {  	_ =	shalt  }
0x4e: {  	_ =	shalt  }
0x4f: {  	_ =	shalt  }
0x50: {  	_ =	shalt  }
0x51: {  	_ =	shalt  }
0x52: {  	_ =	shalt  }
0x53: {  	_ =	shalt  }
0x54: {  	_ =	shalt  }
0x55: {  	_ =	shalt  }
0x56: {  	_ =	shalt  }
0x57: {  	_ =	shalt  }
0x58: {  	_ =	shalt  }
0x59: {  	_ =	shalt  }
0x5a: {  	_ =	shalt  }
0x5b: {  	_ =	shalt  }
0x5c: {  	_ =	shalt  }
0x5d: {  	_ =	shalt  }
0x5e: {  	_ =	shalt  }
0x5f: {  	_ =	shalt  }
0x60: {  	_ =	shalt  }
0x61: {  	_ =	shalt  }
0x62: {  	_ =	shalt  }
0x63: {  	_ =	shalt  }
0x64: {  	_ =	shalt  }
0x65: {  	_ =	shalt  }
0x66: {  	_ =	shalt  }
0x67: {  	_ =	shalt  }
0x68: {  	_ =	shalt  }
0x69: {  	_ =	shalt  }
0x6a: {  	_ =	shalt  }
0x6b: {  	_ =	shalt  }
0x6c: {  	_ =	shalt  }
0x6d: {  	_ =	shalt  }
0x6e: {  	_ =	shalt  }
0x6f: {  	_ =	shalt  }
0x70: {  	_ =	shalt  }
0x71: {  	_ =	shalt  }
0x72: {  	_ =	shalt  }
0x73: {  	_ =	shalt  }
0x74: {  	_ =	shalt  }
0x75: {  	_ =	shalt  }
0x76: {  	_ =	shalt  }
0x77: {  	_ =	shalt  }
0x78: {  	_ =	shalt  }
0x79: {  	_ =	shalt  }
0x7a: {  	_ =	shalt  }
0x7b: {  	_ =	shalt  }
0x7c: {  	_ =	shalt  }
0x7d: {  	_ =	shalt  }
0x7e: {  	_ =	shalt  }
0x7f: {  	_ =	shalt  }
0x80: {  	_ =	shalt  }
0x81: {  	_ =	shalt  }
0x82: {  	_ =	shalt  }
0x83: {  	_ =	shalt  }
0x84: {  	_ =	shalt  }
0x85: {  	_ =	shalt  }
0x86: {  	_ =	shalt  }
0x87: {  	_ =	shalt  }
.Lfunc_end0:
.L_simem_size_0:
called_computation_lowered:
.L_overlay_start_0:
0x88: {  	s2 =	sld [smem:$0x3FD9]  }
0x89: {  	s3 =	sld [smem:$0x3FFE];
	_ =	sdelay $0x1  }
0x8a: {  	s1 =	srdreg.scid  }
0x8b: {  	s0 =	sand.u32 $0x1, s1  }
0x8c: {  	s17 =	sshll.u32 s0, $0xA;
	s2 =	sadd.s32 s3, s2  }
0x8d: {  	s2 =	sadd.s32 s2, s17  }
0x8e: {  	[smem:$0x3FC6] =	sst s2  }
0x8f: {  	_ = 	snop  }
0x90: {  	s2 =	sld [smem:$0x3FC8]  }
0x91: {  	s18 =	sld [smem:$0x3FD0];
	(tm) =	ssettm $0x1  }
0x92: {  	s4 =	sld [smem:$0x3FFB];
	_ =	sdelay $0x3  }
0x93: {  	_ =	strace s4  }
0x94: {  	s4 =	sld [smem:$0x3FFC];
	_ =	sdelay $0x3  }
0x95: {  	_ =	strace s4  }
0x96: {  	s4 =	sld [smem:$0x3FFD];
	_ =	sdelay $0x3  }
0x97: {  	_ =	strace s4  }
0x98: {  	_ =	strace $0x8FFFFFFF  }
0x99: {  	s19 =	sld [smem:$0x3FDB];
	_ =	sdelay $0x1  }
0x9a: {  	s5 =	simm.s32 $_scs_section_size  }
0x9b: {  	s6 =	simm.s32 $_size__tile_overlayer_lowered;
	s7 =	simm.s32 $_tile_overlayer_lowered  }
0x9c: {  	s22 =	simm.s32 $0x1BFF;
	s21 =	sshll.u32 s7, $0x1;
	s4 =	sadd.s32 s5, s19  }
0x9d: {  	s8 =	simm.s32 $0x0;
	s20 =	sshll.u32 s6, $0x1;
	s6 =	sadd.s32 s21, s4  }
0x9e: {  	[timem:s8], [sflag:s22] =	dma.local [hbm:s6], s20  }
0x9f: {  	_ =	swait.ge [sflag:s22], s20  }
0xa0: {  	s5 =	ssub.s32 $0x0, s20;
	[sflag:s22] =	ssyncset.done $0x0  }
0xa1: {  	[sflag:s22] =	ssyncadd.s32 s5;
	_ =	sdelay $0x1  }
0xa2: {  	s23 =	simm.s32 $0x1B8B  }
0xa3: {  	_ =	swait.ge [sflag:s23], $0x1  }
0xa4: {  	[sflag:s23] =	ssyncset.done $0x0  }
0xa5: {  	s25 =	simm.s32 $0x1B8E;
	s24 =	sld [smem:$0x3FFE];
	[sflag:s23] =	ssyncadd.s32 $0xFFFFFFFF  }
0xa6: {  	s26 =	simm.s32 $execute0_lowered;
	[smem:$0x3FD2] =	sst s25  }
0xa7: {  	s6 =	sshll.u32 s26, $0x1;
	_ =	strace $0x80000046;
	[dreg:$0x1] =	wrdreg $0xFFFFFFFF  }
0xa8: {  	s28 =	simm.s32 $_size_execute0_lowered;
	s4 =	sadd.s32 s4, s6;
	[dreg:$0x0] =	wrdreg $0x0  }
0xa9: {  	s6 =	sshll.u32 s28, $0x1;
	[dreg:$0x2] =	wrdreg s4  }
0xaa: {  	[dreg:$0x3] =	wrdreg s6  }
0xab: {  	[dreg:$0x4] =	wrdreg $0xC0  }
0xac: {  	_ =	task [dreg:s8], $0x5FFFF  }
0xad: {  	[dreg:$0x1] =	wrdreg $0xFFFFFFFF  }
0xae: {  	[dreg:$0x0] =	wrdreg $0x60  }
0xaf: {  	[dreg:$0x2] =	wrdreg s24  }
0xb0: {  	[dreg:$0x3] =	wrdreg s2  }
0xb1: {  	[dreg:$0x4] =	wrdreg s18  }
0xb2: {  	[dreg:$0x5] =	wrdreg $0x9  }
0xb3: {  	_ =	task.clear_ibuf [dreg:s8], $0x6FFFF;
	_ =	strace $0x90000046  }
0xb4: {  	s29 =	simm.s32 $0x9;
	_ =	strace $0x80000048  }
0xb5: {  	_ =	swait.ge [sflag:s29], $0x1  }
0xb6: {  	[sflag:s29] =	ssyncadd.s32 $0xFFFFFFFF  }
0xb7: {  	_ =	strace $0x90000048  }
0xb8: {  	_ =	sfence  }
0xb9: {  	s30 =	sld [smem:$0x0];
	_ =	sdelay $0x2  }
0xba: {  	s31 =	sshll.u32 s1, $0xD;
	s1 =	sshrl.u32 s1, $0x2  }
0xbb: {  	s3 =	sand.u32 $0x4000, s31;
	s1 =	sadd.s32 s1, s30  }
0xbc: {  	s0 =	sor.u32 s3, s0;
	s1 =	sshll.u32 s1, $0x11  }
0xbd: {  	s0 =	sor.u32 s1, s0  }
0xbe: {  	s0 =	sadd.s32 $0x8F2B, s0  }
0xbf: {  	[sflag:s0] =	ssyncadd.remote.s32 $0x1  }
0xc0: {  	_ =	sfence.sel $0xFFFF  }
0xc1: {  	[dreg:$0x0] =	wrdreg $0xFFFFFFFF;
	(pc) =	sbr.abs _section_cstart, $3  }
0xc2: {  	[dreg:$0x1] =	wrdreg $0xFFFFFFFF  }
0xc3: {  	_ =	task.clear_ibuf [dreg:s8], $0x2FFFF;
	_ =	strace $0x9FFFFFFF  }
0xc4: {  	(tm) =	ssettm $0x7FFFFFFF  }
0xc5: {  	_ =	shalt  }
tec
execute0_lowered:
.L_overlay_start_1:
0x0: {  	(tag) =	ssettag $0x1  }
0x1: {  	s0 =	rddreg [dreg:$0x0];
	s1 =	srdreg.scid  }
0x2: {  	s2 =	rddreg [dreg:$0x1];
	s14 =	stileid.u32  }
0x3: {  	s4 =	rddreg [dreg:$0x2];
	s30 =	simm.s32 $0x400;
	s28 =	simm.s32 $0x8400  }
0x4: {  	s31 =	simm.s32 $0x8C00;
	s15 =	simm.s32 $0x9400;
	s16 =	simm.s32 $0x9C00  }
0x5: {  	s18 =	simm.s32 $0xAC00;
	s29 =	simm.s32 $0xB400;
	s19 =	simm.s32 $0xBC00  }
0x6: {  	s17 =	simm.s32 $0xF400;
	s20 =	simm.s32 $0xFC00;
	s1 =	sand.u32 $0x1, s1  }
0x7: {  	s5 =	sshll.u32 s14, $0xA;
	s7 =	sadd.s32 $0x300, s2;
	s8 =	sadd.s32 $0x400, s2  }
0x8: {  	s9 =	sadd.s32 $0x500, s2;
	s10 =	sadd.s32 $0x600, s2;
	s11 =	sadd.s32 $0x700, s2  }
0x9: {  	s23 =	sshll.u32 s14, $0x12;
	s14 =	simm.s32 $0xC400;
	s3 =	sshll.u32 s1, $0xE  }
0xa: {  	s6 =	ssub.s32 $0x2, s1;
	s1 =	sshll.u32 s1, $0x16;
	s12 =	sor.u32 s5, s3  }
0xb: {  	s3 =	simm.s32 $0x0;
	s21 =	sshrl.u32 s6, $0x1;
	s1 =	sadd.s32 s1, s4  }
0xc: {  	s5 =	sshrl.u32 s12, $0x3;
	[smem:$0x7FF] =	sst s3;
	s13 =	ssub.s32 s6, s21  }
0xd: {  	s6 =	sadd.s32 $0x200, s2;
	s22 =	sshll.u32 s12, $0x8;
	s1 =	sadd.s32 s23, s1  }
0xe: {  	s21 =	simm.s32 $0xDC00;
	s23 =	simm.s32 $0xEC00;
	s0 =	sadd.s32 s5, s0  }
0xf: {  	_ =	strace $0x80000047;
	s26 =	smax.u32 s13, $0x1;
	[dreg:$0x4] =	wrdreg s1  }
0x10: {  	s12 =	simm.s32 $0x2;
	s0 =	sadd.s32 $0x400, s0;
	[dreg:$0x9] =	wrdreg s26  }
0x11: {  	s13 =	simm.s32 $0x0;
	[dreg:$0x5] =	wrdreg s0;
	s0 =	sadd.s32 s22, s4  }
0x12: {  	s5 =	sadd.s32 $0x100, s2;
	[dreg:$0xa] =	wrdreg s13;
	s24 =	sadd.s32 $0x3C000, s0  }
0x13: {  	s1 =	simm.s32 $0xCC00;
	s25 =	sadd.s32 $0x3D800, s0;
	[dreg:$0x6] =	wrdreg s24  }
0x14: {  	v2 =	vlaneseq.u32;
	s26 =	simm.s32 $0xA400;
	s0 =	sadd.s32 $0x3F000, s0;
	[dreg:$0x7] =	wrdreg s25  }
0x15: {  	vm0 =	vmmov $0xffff;
	v1 =	vshrl.u32 v2, $0x3;
	s22 =	simm.s32 $0xE400;
	s4 =	simm.s32 $0x1;
	[dreg:$0x8] =	wrdreg s0  }
0x16: {  	v0 =	vand.u32 $0x7, v2;
	v2 =	vor.u32 $0x8, v2;
	v1 =	vmul.u32 $0x8, v1;
	s0 =	simm.s32 $0xD400;
	s24 =	simm.s32 $0x3;
	s25 =	simm.s32 $0x4  }
.LBB2_1:
0x17: {  	s13 =	rddreg [dreg:$0x5]  }
0x18: {  	[tilespmem:s3], [sflag:$0x5] =	stream.linear.gather [hbm4b:s13+s3], $0x400, $0x38;
	[tilespmem:$0x18400] =	vst v63  }
0x19: {  	s13 =	simm.s32 $0x5  }
0x1a: {  	_ =	swait.ge [sflag:s13], $0x400  }
0x1b: {  	[sflag:s13] =	ssyncset.done $0x0  }
0x1c: {  	[sflag:s13] =	ssyncadd.s32 $0xFFFFFC00  }
0x1d: {  	v3 =	vld [tilespmem:$0x0];
	_ =	sdelay $0x4  }
0x1e: {  	v4 =	vshll.u32 v3, $0x4  }
0x1f: {  	v3 =	vand.u32 $0x7, v3;
	v4 =	vand.u32 $0xFFFFFF80, v4  }
0x20: {  	v3 =	vor.u32 v3, v4  }
0x21: {  	v4 =	vperm.xlane v3, v0;
	_ =	sdelay $0x1  }
0x22: {  	v4 =	vadd.s32 v1, v4;
	_ =	sdelay $0x4  }
0x23: {  	[tilespmem:s30], [sflag:$0x1] =	stream.indirect_vreg.gather [hbm4b:s2+s3], $0x80, v4, vm0, $0xb8;
	[tilespmem:$0x18400] =	vst v63  }
0x24: {  	s13 =	simm.s32 $0xC00  }
0x25: {  	[tilespmem:s13], [sflag:$0x1] =	stream.indirect_vreg.gather [hbm4b:s5+s3], $0x80, v4, vm0, $0xb8;
	[tilespmem:$0x18400] =	vst v63  }
0x26: {  	s13 =	simm.s32 $0x1400  }
0x27: {  	[tilespmem:s13], [sflag:$0x1] =	stream.indirect_vreg.gather [hbm4b:s6+s3], $0x80, v4, vm0, $0xb8;
	[tilespmem:$0x18400] =	vst v63  }
0x28: {  	s13 =	simm.s32 $0x1C00  }
0x29: {  	[tilespmem:s13], [sflag:$0x1] =	stream.indirect_vreg.gather [hbm4b:s7+s3], $0x80, v4, vm0, $0xb8;
	[tilespmem:$0x18400] =	vst v63  }
0x2a: {  	s13 =	simm.s32 $0x2400  }
0x2b: {  	[tilespmem:s13], [sflag:$0x1] =	stream.indirect_vreg.gather [hbm4b:s8+s3], $0x80, v4, vm0, $0xb8;
	[tilespmem:$0x18400] =	vst v63  }
0x2c: {  	v3 =	vperm.xlane v3, v2;
	s13 =	simm.s32 $0x2C00  }
0x2d: {  	[tilespmem:s13], [sflag:$0x1] =	stream.indirect_vreg.gather [hbm4b:s9+s3], $0x80, v4, vm0, $0xb8;
	[tilespmem:$0x18400] =	vst v63  }
0x2e: {  	v3 =	vadd.s32 v1, v3;
	s13 =	simm.s32 $0x3400  }
0x2f: {  	[tilespmem:s13], [sflag:$0x1] =	stream.indirect_vreg.gather [hbm4b:s10+s3], $0x80, v4, vm0, $0xb8;
	[tilespmem:$0x18400] =	vst v63  }
0x30: {  	s13 =	simm.s32 $0x3C00  }
0x31: {  	[tilespmem:s13], [sflag:$0x1] =	stream.indirect_vreg.gather [hbm4b:s11+s3], $0x80, v4, vm0, $0xb8;
	[tilespmem:$0x18400] =	vst v63  }
0x32: {  	s13 =	simm.s32 $0x4400  }
0x33: {  	[tilespmem:s13], [sflag:$0x1] =	stream.indirect_vreg.gather [hbm4b:s2+s3], $0x80, v3, vm0, $0xb8;
	[tilespmem:$0x18400] =	vst v63  }
0x34: {  	s13 =	simm.s32 $0x4C00  }
0x35: {  	[tilespmem:s13], [sflag:$0x1] =	stream.indirect_vreg.gather [hbm4b:s5+s3], $0x80, v3, vm0, $0xb8;
	[tilespmem:$0x18400] =	vst v63  }
0x36: {  	s13 =	simm.s32 $0x5400  }
0x37: {  	[tilespmem:s13], [sflag:$0x1] =	stream.indirect_vreg.gather [hbm4b:s6+s3], $0x80, v3, vm0, $0xb8;
	[tilespmem:$0x18400] =	vst v63  }
0x38: {  	s13 =	simm.s32 $0x5C00  }
0x39: {  	[tilespmem:s13], [sflag:$0x1] =	stream.indirect_vreg.gather [hbm4b:s7+s3], $0x80, v3, vm0, $0xb8;
	[tilespmem:$0x18400] =	vst v63  }
0x3a: {  	s13 =	simm.s32 $0x6400  }
0x3b: {  	[tilespmem:s13], [sflag:$0x1] =	stream.indirect_vreg.gather [hbm4b:s8+s3], $0x80, v3, vm0, $0xb8;
	[tilespmem:$0x18400] =	vst v63  }
0x3c: {  	s13 =	simm.s32 $0x6C00  }
0x3d: {  	[tilespmem:s13], [sflag:$0x1] =	stream.indirect_vreg.gather [hbm4b:s9+s3], $0x80, v3, vm0, $0xb8;
	[tilespmem:$0x18400] =	vst v63  }
0x3e: {  	s13 =	simm.s32 $0x7400  }
0x3f: {  	[tilespmem:s13], [sflag:$0x1] =	stream.indirect_vreg.gather [hbm4b:s10+s3], $0x80, v3, vm0, $0xb8;
	[tilespmem:$0x18400] =	vst v63  }
0x40: {  	s13 =	simm.s32 $0x7C00  }
0x41: {  	[tilespmem:s13], [sflag:$0x1] =	stream.indirect_vreg.gather [hbm4b:s11+s3], $0x80, v3, vm0, $0xb8;
	[tilespmem:$0x18400] =	vst v63  }
0x42: {  	v3 =	vld.msk [tilespmem:$0x10], $0xff;
	_ =	sdelay $0x4  }
0x43: {  	v61 =	vshll.u32 v3, $0x4  }
0x44: {  	v3 =	vand.u32 $0x7, v3;
	v4 =	vand.u32 $0xFFFFFF80, v61  }
0x45: {  	v3 =	vor.u32 v3, v4  }
0x46: {  	v3 =	vperm.xlane v3, v0;
	_ =	sdelay $0x1  }
0x47: {  	v3 =	vadd.s32 v1, v3;
	_ =	sdelay $0x4  }
0x48: {  	[tilespmem:s28], [sflag:$0x1] =	stream.indirect_vreg.gather [hbm4b:s2+s3], $0x80, v3, vm0, $0xb8;
	[tilespmem:$0x18400] =	vst v63  }
0x49: {  	_ = 	snop  }
0x4a: {  	[tilespmem:s31], [sflag:$0x1] =	stream.indirect_vreg.gather [hbm4b:s5+s3], $0x80, v3, vm0, $0xb8;
	[tilespmem:$0x18400] =	vst v63  }
0x4b: {  	_ = 	snop  }
0x4c: {  	[tilespmem:s15], [sflag:$0x1] =	stream.indirect_vreg.gather [hbm4b:s6+s3], $0x80, v3, vm0, $0xb8;
	[tilespmem:$0x18400] =	vst v63  }
0x4d: {  	_ = 	snop  }
0x4e: {  	[tilespmem:s16], [sflag:$0x1] =	stream.indirect_vreg.gather [hbm4b:s7+s3], $0x80, v3, vm0, $0xb8;
	[tilespmem:$0x18400] =	vst v63  }
0x4f: {  	_ = 	snop  }
0x50: {  	[tilespmem:s26], [sflag:$0x1] =	stream.indirect_vreg.gather [hbm4b:s8+s3], $0x80, v3, vm0, $0xb8;
	[tilespmem:$0x18400] =	vst v63  }
0x51: {  	_ = 	snop  }
0x52: {  	[tilespmem:s18], [sflag:$0x1] =	stream.indirect_vreg.gather [hbm4b:s9+s3], $0x80, v3, vm0, $0xb8;
	[tilespmem:$0x18400] =	vst v63  }
0x53: {  	_ = 	snop  }
0x54: {  	[tilespmem:s29], [sflag:$0x1] =	stream.indirect_vreg.gather [hbm4b:s10+s3], $0x80, v3, vm0, $0xb8;
	[tilespmem:$0x18400] =	vst v63  }
0x55: {  	_ = 	snop  }
0x56: {  	[tilespmem:s19], [sflag:$0x1] =	stream.indirect_vreg.gather [hbm4b:s11+s3], $0x80, v3, vm0, $0xb8;
	[tilespmem:$0x18400] =	vst v63  }
0x57: {  	v3 =	vld [tilespmem:$0x18];
	_ =	sdelay $0x4  }
0x58: {  	v62 =	vshll.u32 v3, $0x4  }
0x59: {  	v3 =	vand.u32 $0x7, v3;
	v4 =	vand.u32 $0xFFFFFF80, v62  }
0x5a: {  	v3 =	vor.u32 v3, v4  }
0x5b: {  	v4 =	vperm.xlane v3, v0;
	_ =	sdelay $0x1  }
0x5c: {  	v4 =	vadd.s32 v1, v4;
	_ =	sdelay $0x4  }
0x5d: {  	[tilespmem:s14], [sflag:$0x2] =	stream.indirect_vreg.gather [hbm4b:s2+s3], $0x80, v4, vm0, $0xb8;
	[tilespmem:$0x18400] =	vst v63  }
0x5e: {  	_ = 	snop  }
0x5f: {  	[tilespmem:s1], [sflag:$0x2] =	stream.indirect_vreg.gather [hbm4b:s5+s3], $0x80, v4, vm0, $0xb8;
	[tilespmem:$0x18400] =	vst v63  }
0x60: {  	_ = 	snop  }
0x61: {  	[tilespmem:s0], [sflag:$0x2] =	stream.indirect_vreg.gather [hbm4b:s6+s3], $0x80, v4, vm0, $0xb8;
	[tilespmem:$0x18400] =	vst v63  }
0x62: {  	_ = 	snop  }
0x63: {  	[tilespmem:s21], [sflag:$0x2] =	stream.indirect_vreg.gather [hbm4b:s7+s3], $0x80, v4, vm0, $0xb8;
	[tilespmem:$0x18400] =	vst v63  }
0x64: {  	_ = 	snop  }
0x65: {  	[tilespmem:s22], [sflag:$0x2] =	stream.indirect_vreg.gather [hbm4b:s8+s3], $0x80, v4, vm0, $0xb8;
	[tilespmem:$0x18400] =	vst v63  }
0x66: {  	v3 =	vperm.xlane v3, v2  }
0x67: {  	[tilespmem:s23], [sflag:$0x2] =	stream.indirect_vreg.gather [hbm4b:s9+s3], $0x80, v4, vm0, $0xb8;
	[tilespmem:$0x18400] =	vst v63  }
0x68: {  	v3 =	vadd.s32 v1, v3  }
0x69: {  	[tilespmem:s17], [sflag:$0x2] =	stream.indirect_vreg.gather [hbm4b:s10+s3], $0x80, v4, vm0, $0xb8;
	[tilespmem:$0x18400] =	vst v63  }
0x6a: {  	_ = 	snop  }
0x6b: {  	[tilespmem:s20], [sflag:$0x2] =	stream.indirect_vreg.gather [hbm4b:s11+s3], $0x80, v4, vm0, $0xb8;
	[tilespmem:$0x18400] =	vst v63  }
0x6c: {  	s1 =	simm.s32 $0x10400  }
0x6d: {  	[tilespmem:s1], [sflag:$0x2] =	stream.indirect_vreg.gather [hbm4b:s2+s3], $0x80, v3, vm0, $0xb8;
	[tilespmem:$0x18400] =	vst v63  }
0x6e: {  	s13 =	simm.s32 $0x10C00  }
0x6f: {  	[tilespmem:s13], [sflag:$0x2] =	stream.indirect_vreg.gather [hbm4b:s5+s3], $0x80, v3, vm0, $0xb8;
	[tilespmem:$0x18400] =	vst v63  }
0x70: {  	s14 =	simm.s32 $0x11400  }
0x71: {  	[tilespmem:s14], [sflag:$0x2] =	stream.indirect_vreg.gather [hbm4b:s6+s3], $0x80, v3, vm0, $0xb8;
	[tilespmem:$0x18400] =	vst v63  }
0x72: {  	s15 =	simm.s32 $0x11C00  }
0x73: {  	[tilespmem:s15], [sflag:$0x2] =	stream.indirect_vreg.gather [hbm4b:s7+s3], $0x80, v3, vm0, $0xb8;
	[tilespmem:$0x18400] =	vst v63  }
0x74: {  	s16 =	simm.s32 $0x12400  }
0x75: {  	[tilespmem:s16], [sflag:$0x2] =	stream.indirect_vreg.gather [hbm4b:s8+s3], $0x80, v3, vm0, $0xb8;
	[tilespmem:$0x18400] =	vst v63  }
0x76: {  	s17 =	simm.s32 $0x12C00  }
0x77: {  	[tilespmem:s17], [sflag:$0x2] =	stream.indirect_vreg.gather [hbm4b:s9+s3], $0x80, v3, vm0, $0xb8;
	[tilespmem:$0x18400] =	vst v63  }
0x78: {  	s18 =	simm.s32 $0x13400  }
0x79: {  	[tilespmem:s18], [sflag:$0x2] =	stream.indirect_vreg.gather [hbm4b:s10+s3], $0x80, v3, vm0, $0xb8;
	[tilespmem:$0x18400] =	vst v63  }
0x7a: {  	s19 =	simm.s32 $0x13C00  }
0x7b: {  	[tilespmem:s19], [sflag:$0x2] =	stream.indirect_vreg.gather [hbm4b:s11+s3], $0x80, v3, vm0, $0xb8;
	[tilespmem:$0x18400] =	vst v63  }
0x7c: {  	v3 =	vld.msk [tilespmem:$0x28], $0xff;
	_ =	sdelay $0x4  }
0x7d: {  	v63 =	vshll.u32 v3, $0x4  }
0x7e: {  	v3 =	vand.u32 $0x7, v3;
	v4 =	vand.u32 $0xFFFFFF80, v63  }
0x7f: {  	v3 =	vor.u32 v3, v4  }
0x80: {  	v3 =	vperm.xlane v3, v0;
	_ =	sdelay $0x1  }
0x81: {  	v3 =	vadd.s32 v1, v3;
	_ =	sdelay $0x3  }
0x82: {  	s20 =	simm.s32 $0x14400  }
0x83: {  	[tilespmem:s20], [sflag:$0x2] =	stream.indirect_vreg.gather [hbm4b:s2+s3], $0x80, v3, vm0, $0xb8;
	[tilespmem:$0x18400] =	vst v63  }
0x84: {  	s30 =	simm.s32 $0x17400;
	s21 =	simm.s32 $0x14C00  }
0x85: {  	[tilespmem:s21], [sflag:$0x2] =	stream.indirect_vreg.gather [hbm4b:s5+s3], $0x80, v3, vm0, $0xb8;
	[tilespmem:$0x18400] =	vst v63  }
0x86: {  	s28 =	simm.s32 $0x16C00;
	s31 =	simm.s32 $0xB400;
	s22 =	simm.s32 $0x15400  }
0x87: {  	[tilespmem:s22], [sflag:$0x2] =	stream.indirect_vreg.gather [hbm4b:s6+s3], $0x80, v3, vm0, $0xb8;
	[tilespmem:$0x18400] =	vst v63  }
0x88: {  	s26 =	simm.s32 $0x16400;
	s29 =	simm.s32 $0x9400;
	s23 =	simm.s32 $0x15C00  }
0x89: {  	[tilespmem:s23], [sflag:$0x2] =	stream.indirect_vreg.gather [hbm4b:s7+s3], $0x80, v3, vm0, $0xb8;
	[tilespmem:$0x18400] =	vst v63  }
0x8a: {  	s0 =	simm.s32 $0xD400;
	s1 =	simm.s32 $0xCC00;
	s13 =	simm.s32 $0x58  }
0x8b: {  	[tilespmem:s26], [sflag:$0x2] =	stream.indirect_vreg.gather [hbm4b:s8+s3], $0x80, v3, vm0, $0xb8;
	[tilespmem:$0x18400] =	vst v63  }
0x8c: {  	s15 =	simm.s32 $0x8C00;
	s17 =	simm.s32 $0xF400;
	s18 =	simm.s32 $0xAC00  }
0x8d: {  	[tilespmem:s28], [sflag:$0x2] =	stream.indirect_vreg.gather [hbm4b:s9+s3], $0x80, v3, vm0, $0xb8;
	[tilespmem:$0x18400] =	vst v63  }
0x8e: {  	s19 =	simm.s32 $0x17C00;
	s20 =	simm.s32 $0xFC00;
	s21 =	simm.s32 $0xDC00  }
0x8f: {  	[tilespmem:s30], [sflag:$0x2] =	stream.indirect_vreg.gather [hbm4b:s10+s3], $0x80, v3, vm0, $0xb8;
	[tilespmem:$0x18400] =	vst v63  }
0x90: {  	s22 =	simm.s32 $0xE400;
	s23 =	simm.s32 $0xEC00;
	s26 =	simm.s32 $0x0  }
0x91: {  	[tilespmem:s19], [sflag:$0x2] =	stream.indirect_vreg.gather [hbm4b:s11+s3], $0x80, v3, vm0, $0xb8;
	[tilespmem:$0x18400] =	vst v63  }
.LBB2_2:
0x92: {  	_ =	swait.ge [sflag:s4], $0xC000  }
0x93: {  	s14 =	rddreg [dreg:$0x4];
	[sflag:s4] =	ssyncset.done $0x0  }
0x94: {  	s28 =	simm.s32 $0x400;
	[sflag:s4] =	ssyncadd.s32 $0xFFFF4000;
	s14 =	sadd.s32 s26, s14  }
0x95: {  	[hbm4b:s14+s3] =	stream.linear.scatter [tilespmem:s28], [sflag:$0x3], $0xC000, $0x38;
	[tilespmem:$0x18400] =	vst v63  }
0x96: {  	_ =	swait.ge [sflag:s24], $0xC000  }
0x97: {  	[sflag:s24] =	ssyncset.done $0x0  }
0x98: {  	[sflag:s24] =	ssyncadd.s32 $0xFFFF4000  }
0x99: {  	v3 =	vld [tilespmem:s13+$0xFFFFFFD8];
	_ =	sdelay $0x4  }
0x9a: {  	v4 =	vshll.u32 v3, $0x4  }
0x9b: {  	v3 =	vand.u32 $0x7, v3;
	v4 =	vand.u32 $0xFFFFFF80, v4  }
0x9c: {  	v3 =	vor.u32 v3, v4  }
0x9d: {  	v4 =	vperm.xlane v3, v0;
	_ =	sdelay $0x1  }
0x9e: {  	v4 =	vadd.s32 v1, v4;
	_ =	sdelay $0x4  }
0x9f: {  	[tilespmem:s28], [sflag:$0x1] =	stream.indirect_vreg.gather [hbm4b:s2+s3], $0x80, v4, vm0, $0xb8;
	[tilespmem:$0x18400] =	vst v63  }
0xa0: {  	s28 =	simm.s32 $0xC00  }
0xa1: {  	[tilespmem:s28], [sflag:$0x1] =	stream.indirect_vreg.gather [hbm4b:s5+s3], $0x80, v4, vm0, $0xb8;
	[tilespmem:$0x18400] =	vst v63  }
0xa2: {  	s28 =	simm.s32 $0x1400  }
0xa3: {  	[tilespmem:s28], [sflag:$0x1] =	stream.indirect_vreg.gather [hbm4b:s6+s3], $0x80, v4, vm0, $0xb8;
	[tilespmem:$0x18400] =	vst v63  }
0xa4: {  	s28 =	simm.s32 $0x1C00  }
0xa5: {  	[tilespmem:s28], [sflag:$0x1] =	stream.indirect_vreg.gather [hbm4b:s7+s3], $0x80, v4, vm0, $0xb8;
	[tilespmem:$0x18400] =	vst v63  }
0xa6: {  	s28 =	simm.s32 $0x2400  }
0xa7: {  	[tilespmem:s28], [sflag:$0x1] =	stream.indirect_vreg.gather [hbm4b:s8+s3], $0x80, v4, vm0, $0xb8;
	[tilespmem:$0x18400] =	vst v63  }
0xa8: {  	v3 =	vperm.xlane v3, v2;
	s28 =	simm.s32 $0x2C00  }
0xa9: {  	[tilespmem:s28], [sflag:$0x1] =	stream.indirect_vreg.gather [hbm4b:s9+s3], $0x80, v4, vm0, $0xb8;
	[tilespmem:$0x18400] =	vst v63  }
0xaa: {  	v3 =	vadd.s32 v1, v3;
	s28 =	simm.s32 $0x3400  }
0xab: {  	[tilespmem:s28], [sflag:$0x1] =	stream.indirect_vreg.gather [hbm4b:s10+s3], $0x80, v4, vm0, $0xb8;
	[tilespmem:$0x18400] =	vst v63  }
0xac: {  	s28 =	simm.s32 $0x3C00  }
0xad: {  	[tilespmem:s28], [sflag:$0x1] =	stream.indirect_vreg.gather [hbm4b:s11+s3], $0x80, v4, vm0, $0xb8;
	[tilespmem:$0x18400] =	vst v63  }
0xae: {  	s28 =	simm.s32 $0x4400  }
0xaf: {  	[tilespmem:s28], [sflag:$0x1] =	stream.indirect_vreg.gather [hbm4b:s2+s3], $0x80, v3, vm0, $0xb8;
	[tilespmem:$0x18400] =	vst v63  }
0xb0: {  	s28 =	simm.s32 $0x4C00  }
0xb1: {  	[tilespmem:s28], [sflag:$0x1] =	stream.indirect_vreg.gather [hbm4b:s5+s3], $0x80, v3, vm0, $0xb8;
	[tilespmem:$0x18400] =	vst v63  }
0xb2: {  	s28 =	simm.s32 $0x5400  }
0xb3: {  	[tilespmem:s28], [sflag:$0x1] =	stream.indirect_vreg.gather [hbm4b:s6+s3], $0x80, v3, vm0, $0xb8;
	[tilespmem:$0x18400] =	vst v63  }
0xb4: {  	s28 =	simm.s32 $0x5C00  }
0xb5: {  	[tilespmem:s28], [sflag:$0x1] =	stream.indirect_vreg.gather [hbm4b:s7+s3], $0x80, v3, vm0, $0xb8;
	[tilespmem:$0x18400] =	vst v63  }
0xb6: {  	s28 =	simm.s32 $0x6400  }
0xb7: {  	[tilespmem:s28], [sflag:$0x1] =	stream.indirect_vreg.gather [hbm4b:s8+s3], $0x80, v3, vm0, $0xb8;
	[tilespmem:$0x18400] =	vst v63  }
0xb8: {  	s28 =	simm.s32 $0x6C00  }
0xb9: {  	[tilespmem:s28], [sflag:$0x1] =	stream.indirect_vreg.gather [hbm4b:s9+s3], $0x80, v3, vm0, $0xb8;
	[tilespmem:$0x18400] =	vst v63  }
0xba: {  	s28 =	simm.s32 $0x7400  }
0xbb: {  	[tilespmem:s28], [sflag:$0x1] =	stream.indirect_vreg.gather [hbm4b:s10+s3], $0x80, v3, vm0, $0xb8;
	[tilespmem:$0x18400] =	vst v63  }
0xbc: {  	s28 =	simm.s32 $0x7C00  }
0xbd: {  	[tilespmem:s28], [sflag:$0x1] =	stream.indirect_vreg.gather [hbm4b:s11+s3], $0x80, v3, vm0, $0xb8;
	[tilespmem:$0x18400] =	vst v63  }
0xbe: {  	v3 =	vld.msk [tilespmem:s13+$0xFFFFFFE8], $0xff;
	_ =	sdelay $0x4  }
0xbf: {  	v61 =	vshll.u32 v3, $0x4  }
0xc0: {  	v3 =	vand.u32 $0x7, v3;
	v4 =	vand.u32 $0xFFFFFF80, v61  }
0xc1: {  	v3 =	vor.u32 v3, v4  }
0xc2: {  	v3 =	vperm.xlane v3, v0;
	_ =	sdelay $0x1  }
0xc3: {  	v3 =	vadd.s32 v1, v3;
	_ =	sdelay $0x3  }
0xc4: {  	s28 =	simm.s32 $0x8400  }
0xc5: {  	[tilespmem:s28], [sflag:$0x1] =	stream.indirect_vreg.gather [hbm4b:s2+s3], $0x80, v3, vm0, $0xb8;
	[tilespmem:$0x18400] =	vst v63  }
0xc6: {  	_ = 	snop  }
0xc7: {  	[tilespmem:s15], [sflag:$0x1] =	stream.indirect_vreg.gather [hbm4b:s5+s3], $0x80, v3, vm0, $0xb8;
	[tilespmem:$0x18400] =	vst v63  }
0xc8: {  	_ = 	snop  }
0xc9: {  	[tilespmem:s29], [sflag:$0x1] =	stream.indirect_vreg.gather [hbm4b:s6+s3], $0x80, v3, vm0, $0xb8;
	[tilespmem:$0x18400] =	vst v63  }
0xca: {  	s16 =	simm.s32 $0x9C00  }
0xcb: {  	[tilespmem:s16], [sflag:$0x1] =	stream.indirect_vreg.gather [hbm4b:s7+s3], $0x80, v3, vm0, $0xb8;
	[tilespmem:$0x18400] =	vst v63  }
0xcc: {  	s16 =	simm.s32 $0xA400  }
0xcd: {  	[tilespmem:s16], [sflag:$0x1] =	stream.indirect_vreg.gather [hbm4b:s8+s3], $0x80, v3, vm0, $0xb8;
	[tilespmem:$0x18400] =	vst v63  }
0xce: {  	_ = 	snop  }
0xcf: {  	[tilespmem:s18], [sflag:$0x1] =	stream.indirect_vreg.gather [hbm4b:s9+s3], $0x80, v3, vm0, $0xb8;
	[tilespmem:$0x18400] =	vst v63  }
0xd0: {  	_ = 	snop  }
0xd1: {  	[tilespmem:s31], [sflag:$0x1] =	stream.indirect_vreg.gather [hbm4b:s10+s3], $0x80, v3, vm0, $0xb8;
	[tilespmem:$0x18400] =	vst v63  }
0xd2: {  	s16 =	simm.s32 $0xBC00  }
0xd3: {  	[tilespmem:s16], [sflag:$0x1] =	stream.indirect_vreg.gather [hbm4b:s11+s3], $0x80, v3, vm0, $0xb8;
	[tilespmem:$0x18400] =	vst v63  }
0xd4: {  	_ =	swait.ge [sflag:s12], $0xC000  }
0xd5: {  	[sflag:s12] =	ssyncset.done $0x0  }
0xd6: {  	s14 =	sadd.s32 $0x1800, s14;
	s16 =	simm.s32 $0xC400;
	[sflag:s12] =	ssyncadd.s32 $0xFFFF4000  }
0xd7: {  	[hbm4b:s14+s3] =	stream.linear.scatter [tilespmem:s16], [sflag:$0x4], $0xC000, $0x38;
	[tilespmem:$0x18400] =	vst v63  }
0xd8: {  	_ =	swait.ge [sflag:s25], $0xC000  }
0xd9: {  	[sflag:s25] =	ssyncset.done $0x0  }
0xda: {  	[sflag:s25] =	ssyncadd.s32 $0xFFFF4000  }
0xdb: {  	v3 =	vld [tilespmem:s13+$0xFFFFFFF0];
	_ =	sdelay $0x4  }
0xdc: {  	v62 =	vshll.u32 v3, $0x4  }
0xdd: {  	v3 =	vand.u32 $0x7, v3;
	v4 =	vand.u32 $0xFFFFFF80, v62  }
0xde: {  	v3 =	vor.u32 v3, v4  }
0xdf: {  	v4 =	vperm.xlane v3, v0;
	_ =	sdelay $0x1  }
0xe0: {  	v4 =	vadd.s32 v1, v4;
	_ =	sdelay $0x4  }
0xe1: {  	[tilespmem:s16], [sflag:$0x2] =	stream.indirect_vreg.gather [hbm4b:s2+s3], $0x80, v4, vm0, $0xb8;
	[tilespmem:$0x18400] =	vst v63  }
0xe2: {  	_ = 	snop  }
0xe3: {  	[tilespmem:s1], [sflag:$0x2] =	stream.indirect_vreg.gather [hbm4b:s5+s3], $0x80, v4, vm0, $0xb8;
	[tilespmem:$0x18400] =	vst v63  }
0xe4: {  	_ = 	snop  }
0xe5: {  	[tilespmem:s0], [sflag:$0x2] =	stream.indirect_vreg.gather [hbm4b:s6+s3], $0x80, v4, vm0, $0xb8;
	[tilespmem:$0x18400] =	vst v63  }
0xe6: {  	_ = 	snop  }
0xe7: {  	[tilespmem:s21], [sflag:$0x2] =	stream.indirect_vreg.gather [hbm4b:s7+s3], $0x80, v4, vm0, $0xb8;
	[tilespmem:$0x18400] =	vst v63  }
0xe8: {  	_ = 	snop  }
0xe9: {  	[tilespmem:s22], [sflag:$0x2] =	stream.indirect_vreg.gather [hbm4b:s8+s3], $0x80, v4, vm0, $0xb8;
	[tilespmem:$0x18400] =	vst v63  }
0xea: {  	v3 =	vperm.xlane v3, v2  }
0xeb: {  	[tilespmem:s23], [sflag:$0x2] =	stream.indirect_vreg.gather [hbm4b:s9+s3], $0x80, v4, vm0, $0xb8;
	[tilespmem:$0x18400] =	vst v63  }
0xec: {  	v3 =	vadd.s32 v1, v3  }
0xed: {  	[tilespmem:s17], [sflag:$0x2] =	stream.indirect_vreg.gather [hbm4b:s10+s3], $0x80, v4, vm0, $0xb8;
	[tilespmem:$0x18400] =	vst v63  }
0xee: {  	_ = 	snop  }
0xef: {  	[tilespmem:s20], [sflag:$0x2] =	stream.indirect_vreg.gather [hbm4b:s11+s3], $0x80, v4, vm0, $0xb8;
	[tilespmem:$0x18400] =	vst v63  }
0xf0: {  	s16 =	simm.s32 $0x10400  }
0xf1: {  	[tilespmem:s16], [sflag:$0x2] =	stream.indirect_vreg.gather [hbm4b:s2+s3], $0x80, v3, vm0, $0xb8;
	[tilespmem:$0x18400] =	vst v63  }
0xf2: {  	s16 =	simm.s32 $0x10C00  }
0xf3: {  	[tilespmem:s16], [sflag:$0x2] =	stream.indirect_vreg.gather [hbm4b:s5+s3], $0x80, v3, vm0, $0xb8;
	[tilespmem:$0x18400] =	vst v63  }
0xf4: {  	s16 =	simm.s32 $0x11400  }
0xf5: {  	[tilespmem:s16], [sflag:$0x2] =	stream.indirect_vreg.gather [hbm4b:s6+s3], $0x80, v3, vm0, $0xb8;
	[tilespmem:$0x18400] =	vst v63  }
0xf6: {  	s16 =	simm.s32 $0x11C00  }
0xf7: {  	[tilespmem:s16], [sflag:$0x2] =	stream.indirect_vreg.gather [hbm4b:s7+s3], $0x80, v3, vm0, $0xb8;
	[tilespmem:$0x18400] =	vst v63  }
0xf8: {  	s16 =	simm.s32 $0x12400  }
0xf9: {  	[tilespmem:s16], [sflag:$0x2] =	stream.indirect_vreg.gather [hbm4b:s8+s3], $0x80, v3, vm0, $0xb8;
	[tilespmem:$0x18400] =	vst v63  }
0xfa: {  	s16 =	simm.s32 $0x12C00  }
0xfb: {  	[tilespmem:s16], [sflag:$0x2] =	stream.indirect_vreg.gather [hbm4b:s9+s3], $0x80, v3, vm0, $0xb8;
	[tilespmem:$0x18400] =	vst v63  }
0xfc: {  	s16 =	simm.s32 $0x13400  }
0xfd: {  	[tilespmem:s16], [sflag:$0x2] =	stream.indirect_vreg.gather [hbm4b:s10+s3], $0x80, v3, vm0, $0xb8;
	[tilespmem:$0x18400] =	vst v63  }
0xfe: {  	s16 =	simm.s32 $0x13C00  }
0xff: {  	[tilespmem:s16], [sflag:$0x2] =	stream.indirect_vreg.gather [hbm4b:s11+s3], $0x80, v3, vm0, $0xb8;
	[tilespmem:$0x18400] =	vst v63  }
0x100: {  	v3 =	vld.msk [tilespmem:s13+$0x0], $0xff;
	_ =	sdelay $0x4  }
0x101: {  	v63 =	vshll.u32 v3, $0x4  }
0x102: {  	v3 =	vand.u32 $0x7, v3;
	v4 =	vand.u32 $0xFFFFFF80, v63  }
0x103: {  	v3 =	vor.u32 v3, v4  }
0x104: {  	v3 =	vperm.xlane v3, v0;
	_ =	sdelay $0x1  }
0x105: {  	v3 =	vadd.s32 v1, v3;
	_ =	sdelay $0x3  }
0x106: {  	s16 =	simm.s32 $0x14400  }
0x107: {  	[tilespmem:s16], [sflag:$0x2] =	stream.indirect_vreg.gather [hbm4b:s2+s3], $0x80, v3, vm0, $0xb8;
	[tilespmem:$0x18400] =	vst v63  }
0x108: {  	s16 =	simm.s32 $0x14C00  }
0x109: {  	[tilespmem:s16], [sflag:$0x2] =	stream.indirect_vreg.gather [hbm4b:s5+s3], $0x80, v3, vm0, $0xb8;
	[tilespmem:$0x18400] =	vst v63  }
0x10a: {  	s16 =	simm.s32 $0x15400  }
0x10b: {  	[tilespmem:s16], [sflag:$0x2] =	stream.indirect_vreg.gather [hbm4b:s6+s3], $0x80, v3, vm0, $0xb8;
	[tilespmem:$0x18400] =	vst v63  }
0x10c: {  	s16 =	simm.s32 $0x15C00  }
0x10d: {  	[tilespmem:s16], [sflag:$0x2] =	stream.indirect_vreg.gather [hbm4b:s7+s3], $0x80, v3, vm0, $0xb8;
	[tilespmem:$0x18400] =	vst v63  }
0x10e: {  	s16 =	simm.s32 $0x16400  }
0x10f: {  	[tilespmem:s16], [sflag:$0x2] =	stream.indirect_vreg.gather [hbm4b:s8+s3], $0x80, v3, vm0, $0xb8;
	[tilespmem:$0x18400] =	vst v63  }
0x110: {  	p0 =	sne.s32 s26, $0x39000;
	s16 =	simm.s32 $0x16C00  }
0x111: {  	[tilespmem:s16], [sflag:$0x2] =	stream.indirect_vreg.gather [hbm4b:s9+s3], $0x80, v3, vm0, $0xb8;
	[tilespmem:$0x18400] =	vst v63  }
.Ltmp0:
0x112: {  	_ = 	snop;
	(pc) =	sbr.rel @p0 .LBB2_2-.Ltmp0, $4  }
0x113: {  	_ = 	snop  }
0x114: {  	[tilespmem:s30], [sflag:$0x2] =	stream.indirect_vreg.gather [hbm4b:s10+s3], $0x80, v3, vm0, $0xb8;
	[tilespmem:$0x18400] =	vst v63  }
0x115: {  	s26 =	sadd.s32 $0x3000, s26;
	s14 =	simm.s32 $0xC400;
	s13 =	sadd.s32 $0x30, s13  }
0x116: {  	[tilespmem:s19], [sflag:$0x2] =	stream.indirect_vreg.gather [hbm4b:s11+s3], $0x80, v3, vm0, $0xb8;
	[tilespmem:$0x18400] =	vst v63  }
0x117: {  	_ =	swait.ge [sflag:s4], $0xC000  }
0x118: {  	[sflag:s4] =	ssyncset.done $0x0  }
0x119: {  	s0 =	simm.s32 $0x400;
	s13 =	rddreg [dreg:$0x6];
	[sflag:s4] =	ssyncadd.s32 $0xFFFF4000  }
0x11a: {  	[hbm4b:s13+s3] =	stream.linear.scatter [tilespmem:s0], [sflag:$0x3], $0xC000, $0x38;
	[tilespmem:$0x18400] =	vst v63  }
0x11b: {  	_ =	swait.ge [sflag:s24], $0xC000  }
0x11c: {  	[sflag:s24] =	ssyncset.done $0x0  }
0x11d: {  	[sflag:s24] =	ssyncadd.s32 $0xFFFF4000  }
0x11e: {  	v3 =	vld [tilespmem:$0x3F0];
	_ =	sdelay $0x4  }
0x11f: {  	v4 =	vshll.u32 v3, $0x4  }
0x120: {  	v3 =	vand.u32 $0x7, v3;
	v4 =	vand.u32 $0xFFFFFF80, v4  }
0x121: {  	v3 =	vor.u32 v3, v4  }
0x122: {  	v4 =	vperm.xlane v3, v0;
	_ =	sdelay $0x1  }
0x123: {  	v4 =	vadd.s32 v1, v4;
	_ =	sdelay $0x4  }
0x124: {  	[tilespmem:s0], [sflag:$0x1] =	stream.indirect_vreg.gather [hbm4b:s2+s3], $0x80, v4, vm0, $0xb8;
	[tilespmem:$0x18400] =	vst v63  }
0x125: {  	s17 =	simm.s32 $0xC00  }
0x126: {  	[tilespmem:s17], [sflag:$0x1] =	stream.indirect_vreg.gather [hbm4b:s5+s3], $0x80, v4, vm0, $0xb8;
	[tilespmem:$0x18400] =	vst v63  }
0x127: {  	s18 =	simm.s32 $0x1400  }
0x128: {  	[tilespmem:s18], [sflag:$0x1] =	stream.indirect_vreg.gather [hbm4b:s6+s3], $0x80, v4, vm0, $0xb8;
	[tilespmem:$0x18400] =	vst v63  }
0x129: {  	s19 =	simm.s32 $0x1C00  }
0x12a: {  	[tilespmem:s19], [sflag:$0x1] =	stream.indirect_vreg.gather [hbm4b:s7+s3], $0x80, v4, vm0, $0xb8;
	[tilespmem:$0x18400] =	vst v63  }
0x12b: {  	s20 =	simm.s32 $0x2400  }
0x12c: {  	[tilespmem:s20], [sflag:$0x1] =	stream.indirect_vreg.gather [hbm4b:s8+s3], $0x80, v4, vm0, $0xb8;
	[tilespmem:$0x18400] =	vst v63  }
0x12d: {  	s21 =	simm.s32 $0x2C00;
	v3 =	vperm.xlane v3, v2  }
0x12e: {  	[tilespmem:s21], [sflag:$0x1] =	stream.indirect_vreg.gather [hbm4b:s9+s3], $0x80, v4, vm0, $0xb8;
	[tilespmem:$0x18400] =	vst v63  }
0x12f: {  	s22 =	simm.s32 $0x3400;
	v3 =	vadd.s32 v1, v3  }
0x130: {  	[tilespmem:s22], [sflag:$0x1] =	stream.indirect_vreg.gather [hbm4b:s10+s3], $0x80, v4, vm0, $0xb8;
	[tilespmem:$0x18400] =	vst v63  }
0x131: {  	s23 =	simm.s32 $0x3C00  }
0x132: {  	[tilespmem:s23], [sflag:$0x1] =	stream.indirect_vreg.gather [hbm4b:s11+s3], $0x80, v4, vm0, $0xb8;
	[tilespmem:$0x18400] =	vst v63  }
0x133: {  	s26 =	simm.s32 $0x4400  }
0x134: {  	[tilespmem:s26], [sflag:$0x1] =	stream.indirect_vreg.gather [hbm4b:s2+s3], $0x80, v3, vm0, $0xb8;
	[tilespmem:$0x18400] =	vst v63  }
0x135: {  	s1 =	simm.s32 $0x4C00  }
0x136: {  	[tilespmem:s1], [sflag:$0x1] =	stream.indirect_vreg.gather [hbm4b:s5+s3], $0x80, v3, vm0, $0xb8;
	[tilespmem:$0x18400] =	vst v63  }
0x137: {  	s15 =	simm.s32 $0x5400  }
0x138: {  	[tilespmem:s15], [sflag:$0x1] =	stream.indirect_vreg.gather [hbm4b:s6+s3], $0x80, v3, vm0, $0xb8;
	[tilespmem:$0x18400] =	vst v63  }
0x139: {  	s16 =	simm.s32 $0x5C00  }
0x13a: {  	[tilespmem:s16], [sflag:$0x1] =	stream.indirect_vreg.gather [hbm4b:s7+s3], $0x80, v3, vm0, $0xb8;
	[tilespmem:$0x18400] =	vst v63  }
0x13b: {  	s17 =	simm.s32 $0x6400  }
0x13c: {  	[tilespmem:s17], [sflag:$0x1] =	stream.indirect_vreg.gather [hbm4b:s8+s3], $0x80, v3, vm0, $0xb8;
	[tilespmem:$0x18400] =	vst v63  }
0x13d: {  	s18 =	simm.s32 $0x6C00  }
0x13e: {  	[tilespmem:s18], [sflag:$0x1] =	stream.indirect_vreg.gather [hbm4b:s9+s3], $0x80, v3, vm0, $0xb8;
	[tilespmem:$0x18400] =	vst v63  }
0x13f: {  	s19 =	simm.s32 $0x7400  }
0x140: {  	[tilespmem:s19], [sflag:$0x1] =	stream.indirect_vreg.gather [hbm4b:s10+s3], $0x80, v3, vm0, $0xb8;
	[tilespmem:$0x18400] =	vst v63  }
0x141: {  	s20 =	simm.s32 $0x7C00  }
0x142: {  	[tilespmem:s20], [sflag:$0x1] =	stream.indirect_vreg.gather [hbm4b:s11+s3], $0x80, v3, vm0, $0xb8;
	[tilespmem:$0x18400] =	vst v63  }
0x143: {  	_ =	swait.ge [sflag:s12], $0xC000  }
0x144: {  	[sflag:s12] =	ssyncset.done $0x0  }
0x145: {  	s21 =	rddreg [dreg:$0x7];
	[sflag:s12] =	ssyncadd.s32 $0xFFFF4000  }
0x146: {  	[hbm4b:s21+s3] =	stream.linear.scatter [tilespmem:s14], [sflag:$0x4], $0xC000, $0x38;
	[tilespmem:$0x18400] =	vst v63  }
0x147: {  	_ =	swait.ge [sflag:s25], $0xC000  }
0x148: {  	[sflag:s25] =	ssyncset.done $0x0  }
0x149: {  	[sflag:s25] =	ssyncadd.s32 $0xFFFF4000  }
0x14a: {  	_ =	swait.ge [sflag:s4], $0x8000  }
0x14b: {  	[sflag:s4] =	ssyncset.done $0x0  }
0x14c: {  	s22 =	rddreg [dreg:$0x8];
	[sflag:s4] =	ssyncadd.s32 $0xFFFF8000  }
0x14d: {  	[hbm4b:s22+s3] =	stream.linear.scatter [tilespmem:s0], [sflag:$0x3], $0x8000, $0x38;
	[tilespmem:$0x18400] =	vst v63  }
0x14e: {  	_ =	swait.ge [sflag:s24], $0x8000  }
0x14f: {  	s30 =	simm.s32 $0x400;
	s23 =	rddreg [dreg:$0xa]  }
0x150: {  	s31 =	simm.s32 $0x8C00;
	s26 =	rddreg [dreg:$0x9];
	s0 =	sadd.s32 $0x1, s23  }
0x151: {  	s29 =	simm.s32 $0xB400;
	s1 =	simm.s32 $0xCC00;
	p0 =	sne.s32 s0, s26  }
.Ltmp1:
0x152: {  	s15 =	simm.s32 $0x9400;
	s16 =	simm.s32 $0x9C00;
	(pc) =	sbr.rel @p0 .LBB2_1-.Ltmp1, $4  }
0x153: {  	s17 =	simm.s32 $0xF400;
	s18 =	simm.s32 $0xAC00;
	s19 =	simm.s32 $0xBC00  }
0x154: {  	s20 =	simm.s32 $0xFC00;
	s21 =	simm.s32 $0xDC00;
	[sflag:s24] =	ssyncset.done $0x0  }
0x155: {  	s22 =	simm.s32 $0xE400;
	[sflag:s24] =	ssyncadd.s32 $0xFFFF8000;
	s23 =	simm.s32 $0xEC00  }
0x156: {  	[dreg:$0xa] =	wrdreg s0;
	s26 =	simm.s32 $0xA400;
	s0 =	simm.s32 $0xD400  }
0x157: {  	_ =	sfence.sel $0x180000  }
0x158: {  	[bflag:$0x0] =	sbarrier.arrive $0xFFFF  }
0x159: {  	_ =	strace $0x90000047  }
0x15a: {  	s0 =	stileid.u32;
	[bflag:$0x2] =	sbarrier.arrive $0xFFFF  }
0x15b: {  	p0 =	sne.s32 s0, $0x0;
	s0 =	rddreg [dreg:$0x3]  }
0x15c: {  	s0 =	sadd.s32 @!p0 $0x100000, s0  }
0x15d: {  	[sflag:s0] =	ssyncadd.tile.s32 @!p0 $0x1;
	_ =	shalt  }
.Lfunc_end2:
_tile_overlayer_lowered:
.L_overlay_start_2:
0x15e: {  	(tag) =	ssettag $0x2  }
0x15f: {  	s0 =	rddreg [dreg:$0x0];
	s2 =	stileid.u32  }
0x160: {  	s1 =	rddreg [dreg:$0x1];
	p0 =	sne.s32 s2, $0x0  }
0x161: {  	s3 =	rddreg [dreg:$0x2];
	[bflag:$0x3] =	sbarrier.arrive $0xFFFF;
	s2 =	simm.s32 @!p0 $0x1C05  }
0x162: {  	[timem:s3], [sflag:s2] =	dma.local @!p0 [hbm:s0], s1  }
0x163: {  	s0 =	simm.s32 @!p0 $0x5  }
0x164: {  	_ =	swait.ge @!p0 [sflag:s0], s1  }
0x165: {  	s1 =	ssub.s32 @!p0 $0x0, s1;
	[sflag:s0] =	ssyncset.done @!p0 $0x0  }
0x166: {  	[sflag:s0] =	ssyncadd.s32 @!p0 s1  }
0x167: {  	[bflag:$0x3] =	sbarrier.arrive $0xFFFF  }
0x168: {  	_ =	shalt  }

</sc_bundles>
